<compile_context>
chip_gen: v7x
topology: tpu7x:2x2x1
jax: 0.10.2.dev20260603
libtpu: 0.0.44.dev20260713+nightly
codegen_flags: <defaults>
</compile_context>

<pallas_src>
import functools

import jax
import jax.numpy as jnp
import numpy as np
from jax import lax
from jax.experimental import pallas as pl
from jax.experimental.pallas import tpu as pltpu
from jax.experimental.pallas import tpu_sc as plsc

B = 16384
V = 27
JPAD = 32

_U32 = jnp.uint32
_K1 = np.uint32(0)
_K2 = np.uint32(42)
_K3 = np.uint32(0 ^ 42 ^ 0x1BD11BDA)
_TINY = np.float32(np.finfo(np.float32).tiny)

NW = 32
BPW = B // NW
NCHUNK = BPW // 16


def _rotl(x, r):
    return (x << _U32(r)) | (x >> _U32(32 - r))


def _threefry_bits(n):
    rotations = ((13, 15, 26, 6), (17, 29, 16, 24))
    ks = (_K1, _K2, _K3)
    x0 = jnp.zeros_like(n) + ks[0]
    x1 = n + ks[1]
    for i in range(5):
        for r in rotations[i % 2]:
            x0 = x0 + x1
            x1 = _rotl(x1, r)
            x1 = x0 ^ x1
        x0 = x0 + ks[(i + 1) % 3]
        x1 = x1 + ks[(i + 2) % 3] + _U32(i + 1)
    return x0 ^ x1


def _gumbel_from_bits(bits):
    fb = (bits >> _U32(9)) | _U32(0x3F800000)
    f = jax.lax.bitcast_convert_type(fb, jnp.float32) - jnp.float32(1.0)
    u = f * (jnp.float32(1.0) - _TINY) + _TINY
    u = jnp.maximum(_TINY, u)
    return -jnp.log(-jnp.log(u))



_sc_mesh = plsc.VectorSubcoreMesh(core_axis_name="c", subcore_axis_name="s")


@functools.partial(
    pl.kernel,
    out_type=jax.ShapeDtypeStruct((JPAD, B), jnp.float32),
    mesh=_sc_mesh,
    compiler_params=pltpu.CompilerParams(needs_layout_passes=False),
    scratch_types=[
        pltpu.VMEM((JPAD, JPAD), jnp.float32),
        pltpu.VMEM((BPW,), jnp.int32),
        pltpu.VMEM((JPAD, BPW), jnp.float32),
        pltpu.SemaphoreType.DMA,
    ],
)
def _sc_gather(tab_hbm, x_hbm, out_hbm, tab_v, xv_v, buf_v, sem):
    wid = lax.axis_index("s") * 2 + lax.axis_index("c")
    base = pl.multiple_of(wid * BPW, BPW)
    ctab = pltpu.async_copy(tab_hbm, tab_v, sem)
    cx = pltpu.async_copy(x_hbm.at[pl.ds(base, BPW)], xv_v, sem)
    ctab.wait()
    cx.wait()

    def chunk(c, carry):
        off = pl.multiple_of(c * 16, 16)
        xi = xv_v[pl.ds(off, 16)]
        for j in range(V):
            jv = jnp.full((16,), j, jnp.int32)
            vals = plsc.load_gather(tab_v, [jv, xi])
            buf_v[j, pl.ds(off, 16)] = vals
        return carry

    lax.fori_loop(0, NCHUNK, chunk, 0)
    pltpu.sync_copy(buf_v, out_hbm.at[:, pl.ds(base, BPW)])



def _tc_body(p_ref, out_ref):
    j = jax.lax.broadcasted_iota(jnp.int32, (JPAD, B), 0)
    i = jax.lax.broadcasted_iota(jnp.int32, (JPAD, B), 1)
    n = (i * V + j).astype(_U32)
    g = _gumbel_from_bits(_threefry_bits(n))
    scores = g + jnp.log(p_ref[...])
    scores = jnp.where(j < V, scores, -jnp.inf)
    val, idx = scores, j
    for size in (16, 8, 4, 2, 1):
        av, bv = val[:size], val[size:2 * size]
        ai, bi = idx[:size], idx[size:2 * size]
        takeb = (bv > av) | ((bv == av) & (bi < ai))
        val = jnp.where(takeb, bv, av)
        idx = jnp.where(takeb, bi, ai)
    out_ref[...] = idx


@jax.jit
def kernel(x, logits):
    lt = jnp.ones((JPAD, JPAD), jnp.float32).at[:V, :V].set(logits.T)
    probT = _sc_gather(lt, x.astype(jnp.int32))
    out = pl.pallas_call(
        _tc_body,
        out_shape=jax.ShapeDtypeStruct((1, B), jnp.int32),
    )(probT)
    return out.reshape(B, 1)

# --- scband reference (transcript-rebuilt; emitter-appended) ---
"""Pipeline reference for scband-bigram-18863496364160 (READ-ONLY COPY).

The authoritative reference and input builder live on the scoring server;
editing this copy changes nothing except your own understanding.
"""

import jax, jax.numpy as jnp
import numpy as np

B = 16384
V = 27  # 26 letters + '.'

def setup_inputs(seed: int = 0) -> dict:
    key = jax.random.key(seed)
    k1, k2 = jax.random.split(key)
    x = jax.random.randint(k1, (B,), 0, V)
    # Emulate the bigram table built in __init__: counts start at 1 (Laplace
    # smoothing), accumulate random bigram counts, then row-normalize so each
    # row of 'logits' is a probability distribution (matches the torch module,
    # where self.logits holds row-normalized probabilities despite the name).
    counts = jnp.ones((V, V), dtype=jnp.float32) + jax.random.randint(k2, (V, V), 0, 200).astype(jnp.float32)
    logits = counts / jnp.sum(counts, axis=1, keepdims=True)
    return {"x": x, "logits": logits}

def reference(x, logits):
    # rows of the (probability) table for each query index -> [B, V]
    rows = jnp.take(logits, x, axis=0)
    # torch.multinomial(rows, num_samples=1, replacement=True):
    # categorical sample per row; jax.random.categorical expects log-probs.
    key = jax.random.key(42)
    out = jax.random.categorical(key, jnp.log(rows), axis=-1)[:, None]  # [B, 1]
    return out

if __name__ == "__main__":
    import jax
    _d = setup_inputs()
    print(jax.jit(kernel)(*tuple(_d.values())))

</pallas_src>

<mosaic_0001>
#map = affine_map<(d0, d1) -> (0, 0)>
#map1 = affine_map<(d0, d1) -> (0)>
module attributes {stable_mosaic.version = 14 : i64} {
  func.func @_sc_gather(%arg0: i32, %arg1: i32, %arg2: memref<32x32xf32, #tpu.memory_space<hbm>>, %arg3: memref<16384xi32, #tpu.memory_space<hbm>>, %arg4: memref<32x16384xf32, #tpu.memory_space<hbm>>, %arg5: memref<32x32xf32, #tpu.memory_space<vmem>>, %arg6: memref<512xi32, #tpu.memory_space<vmem>>, %arg7: memref<32x512xf32, #tpu.memory_space<vmem>>, %arg8: memref<!tpu.dma_semaphore, #tpu.memory_space<semaphore_mem>>) attributes {dimension_semantics = [#tpu.dimension_semantics<core_parallel>, #tpu.dimension_semantics<subcore_parallel>], iteration_bounds = array<i64: 2, 16>, scalar_prefetch = 0 : i64, scratch_operands = 4 : i64, tpu.core_type = #tpu.core_type<sc_vector_subcore>, window_params = [{transform_indices = #map}, {transform_indices = #map1}, {transform_indices = #map}]} {
    %mul3A = arith.constant 2 : i32
    %mul3A_0 = arith.muli %arg1, %mul3A : i32
    %add3A = arith.addi %mul3A_0, %arg0 : i32
    %mul3A_1 = arith.constant 512 : i32
    %mul3A_2 = arith.muli %add3A, %mul3A_1 : i32
    %multiple_of3A = tpu.assume_multiple %mul3A_2, 512 : i32
    tpu.enqueue_dma source(%arg2 : memref<32x32xf32, #tpu.memory_space<hbm>>) target(%arg5 : memref<32x32xf32, #tpu.memory_space<vmem>>) target_semaphore(%arg8 : memref<!tpu.dma_semaphore, #tpu.memory_space<semaphore_mem>>)
    %dma_start3A = tpu.memref_slice %arg3[%multiple_of3A] : memref<16384xi32, #tpu.memory_space<hbm>> -> memref<512xi32, #tpu.memory_space<hbm>>
    %dma_start3A_3 = tpu.memref_slice %arg3[%multiple_of3A] : memref<16384xi32, #tpu.memory_space<hbm>> -> memref<512xi32, #tpu.memory_space<hbm>>
    tpu.enqueue_dma source(%dma_start3A_3 : memref<512xi32, #tpu.memory_space<hbm>>) target(%arg6 : memref<512xi32, #tpu.memory_space<vmem>>) target_semaphore(%arg8 : memref<!tpu.dma_semaphore, #tpu.memory_space<semaphore_mem>>)
    tpu.wait_dma2 semaphore(%arg8 : memref<!tpu.dma_semaphore, #tpu.memory_space<semaphore_mem>>) src(%arg2 : memref<32x32xf32, #tpu.memory_space<hbm>>) dst(%arg5 : memref<32x32xf32, #tpu.memory_space<vmem>>)
    %dma_wait3A = tpu.memref_slice %arg3[%multiple_of3A] : memref<16384xi32, #tpu.memory_space<hbm>> -> memref<512xi32, #tpu.memory_space<hbm>>
    %dma_wait3A_4 = tpu.memref_slice %arg3[%multiple_of3A] : memref<16384xi32, #tpu.memory_space<hbm>> -> memref<512xi32, #tpu.memory_space<hbm>>
    tpu.wait_dma2 semaphore(%arg8 : memref<!tpu.dma_semaphore, #tpu.memory_space<semaphore_mem>>) src(%dma_wait3A_4 : memref<512xi32, #tpu.memory_space<hbm>>) dst(%arg6 : memref<512xi32, #tpu.memory_space<vmem>>)
    %scan3A = arith.constant 0 : i32
    %scan3A_5 = arith.constant 0 : i32
    %scan3A_6 = arith.constant 32 : i32
    %scan3A_7 = arith.addi %scan3A_5, %scan3A_6 : i32
    %scan3A_8 = arith.constant 1 : i32
    scf.for %scan3A_10 = %scan3A_5 to %scan3A_7 step %scan3A_8  : i32 {
      %mul3A_11 = arith.constant 16 : i32
      %mul3A_12 = arith.muli %scan3A_10, %mul3A_11 : i32
      %multiple_of3A_13 = tpu.assume_multiple %mul3A_12, 16 : i32
      %get3A = arith.index_cast %multiple_of3A_13 : i32 to index
      %get3A_14 = tpu.vector_load %arg6[%get3A] {strides = array<i32>} : memref<512xi32, #tpu.memory_space<vmem>>, vector<16xi32>,
      %broadcast_in_dim3A = arith.constant 0 : i32
      %broadcast_in_dim3A_15 = vector.broadcast %broadcast_in_dim3A : i32 to vector<16xi32>
      %gather3A = tpu.vector_load_idx %arg5[%broadcast_in_dim3A_15, %get3A_14] : memref<32x32xf32, #tpu.memory_space<vmem>>[vector<16xi32>, vector<16xi32>], vector<16xf32>,
      %swap3A = arith.constant 0 : i32
      %swap3A_16 = arith.index_cast %swap3A : i32 to index
      %swap3A_17 = arith.index_cast %multiple_of3A_13 : i32 to index
      %swap3A_18 = tpu.vector_load %arg7[%swap3A_16, %swap3A_17] {strides = array<i32>} : memref<32x512xf32, #tpu.memory_space<vmem>>, vector<16xf32>,
      tpu.vector_store %arg7[%swap3A_16, %swap3A_17], %gather3A {strides = array<i32>} : memref<32x512xf32, #tpu.memory_space<vmem>>, vector<16xf32>,
      %broadcast_in_dim3A_19 = arith.constant 1 : i32
      %broadcast_in_dim3A_20 = vector.broadcast %broadcast_in_dim3A_19 : i32 to vector<16xi32>
      %gather3A_21 = tpu.vector_load_idx %arg5[%broadcast_in_dim3A_20, %get3A_14] : memref<32x32xf32, #tpu.memory_space<vmem>>[vector<16xi32>, vector<16xi32>], vector<16xf32>,
      %swap3A_22 = arith.constant 1 : i32
      %swap3A_23 = arith.index_cast %swap3A_22 : i32 to index
      %swap3A_24 = arith.index_cast %multiple_of3A_13 : i32 to index
      %swap3A_25 = tpu.vector_load %arg7[%swap3A_23, %swap3A_24] {strides = array<i32>} : memref<32x512xf32, #tpu.memory_space<vmem>>, vector<16xf32>,
      tpu.vector_store %arg7[%swap3A_23, %swap3A_24], %gather3A_21 {strides = array<i32>} : memref<32x512xf32, #tpu.memory_space<vmem>>, vector<16xf32>,
      %broadcast_in_dim3A_26 = arith.constant 2 : i32
      %broadcast_in_dim3A_27 = vector.broadcast %broadcast_in_dim3A_26 : i32 to vector<16xi32>
      %gather3A_28 = tpu.vector_load_idx %arg5[%broadcast_in_dim3A_27, %get3A_14] : memref<32x32xf32, #tpu.memory_space<vmem>>[vector<16xi32>, vector<16xi32>], vector<16xf32>,
      %swap3A_29 = arith.constant 2 : i32
      %swap3A_30 = arith.index_cast %swap3A_29 : i32 to index
      %swap3A_31 = arith.index_cast %multiple_of3A_13 : i32 to index
      %swap3A_32 = tpu.vector_load %arg7[%swap3A_30, %swap3A_31] {strides = array<i32>} : memref<32x512xf32, #tpu.memory_space<vmem>>, vector<16xf32>,
      tpu.vector_store %arg7[%swap3A_30, %swap3A_31], %gather3A_28 {strides = array<i32>} : memref<32x512xf32, #tpu.memory_space<vmem>>, vector<16xf32>,
      %broadcast_in_dim3A_33 = arith.constant 3 : i32
      %broadcast_in_dim3A_34 = vector.broadcast %broadcast_in_dim3A_33 : i32 to vector<16xi32>
      %gather3A_35 = tpu.vector_load_idx %arg5[%broadcast_in_dim3A_34, %get3A_14] : memref<32x32xf32, #tpu.memory_space<vmem>>[vector<16xi32>, vector<16xi32>], vector<16xf32>,
      %swap3A_36 = arith.constant 3 : i32
      %swap3A_37 = arith.index_cast %swap3A_36 : i32 to index
      %swap3A_38 = arith.index_cast %multiple_of3A_13 : i32 to index
      %swap3A_39 = tpu.vector_load %arg7[%swap3A_37, %swap3A_38] {strides = array<i32>} : memref<32x512xf32, #tpu.memory_space<vmem>>, vector<16xf32>,
      tpu.vector_store %arg7[%swap3A_37, %swap3A_38], %gather3A_35 {strides = array<i32>} : memref<32x512xf32, #tpu.memory_space<vmem>>, vector<16xf32>,
      %broadcast_in_dim3A_40 = arith.constant 4 : i32
      %broadcast_in_dim3A_41 = vector.broadcast %broadcast_in_dim3A_40 : i32 to vector<16xi32>
      %gather3A_42 = tpu.vector_load_idx %arg5[%broadcast_in_dim3A_41, %get3A_14] : memref<32x32xf32, #tpu.memory_space<vmem>>[vector<16xi32>, vector<16xi32>], vector<16xf32>,
      %swap3A_43 = arith.constant 4 : i32
      %swap3A_44 = arith.index_cast %swap3A_43 : i32 to index
      %swap3A_45 = arith.index_cast %multiple_of3A_13 : i32 to index
      %swap3A_46 = tpu.vector_load %arg7[%swap3A_44, %swap3A_45] {strides = array<i32>} : memref<32x512xf32, #tpu.memory_space<vmem>>, vector<16xf32>,
      tpu.vector_store %arg7[%swap3A_44, %swap3A_45], %gather3A_42 {strides = array<i32>} : memref<32x512xf32, #tpu.memory_space<vmem>>, vector<16xf32>,
      %broadcast_in_dim3A_47 = arith.constant 5 : i32
      %broadcast_in_dim3A_48 = vector.broadcast %broadcast_in_dim3A_47 : i32 to vector<16xi32>
      %gather3A_49 = tpu.vector_load_idx %arg5[%broadcast_in_dim3A_48, %get3A_14] : memref<32x32xf32, #tpu.memory_space<vmem>>[vector<16xi32>, vector<16xi32>], vector<16xf32>,
      %swap3A_50 = arith.constant 5 : i32
      %swap3A_51 = arith.index_cast %swap3A_50 : i32 to index
      %swap3A_52 = arith.index_cast %multiple_of3A_13 : i32 to index
      %swap3A_53 = tpu.vector_load %arg7[%swap3A_51, %swap3A_52] {strides = array<i32>} : memref<32x512xf32, #tpu.memory_space<vmem>>, vector<16xf32>,
      tpu.vector_store %arg7[%swap3A_51, %swap3A_52], %gather3A_49 {strides = array<i32>} : memref<32x512xf32, #tpu.memory_space<vmem>>, vector<16xf32>,
      %broadcast_in_dim3A_54 = arith.constant 6 : i32
      %broadcast_in_dim3A_55 = vector.broadcast %broadcast_in_dim3A_54 : i32 to vector<16xi32>
      %gather3A_56 = tpu.vector_load_idx %arg5[%broadcast_in_dim3A_55, %get3A_14] : memref<32x32xf32, #tpu.memory_space<vmem>>[vector<16xi32>, vector<16xi32>], vector<16xf32>,
      %swap3A_57 = arith.constant 6 : i32
      %swap3A_58 = arith.index_cast %swap3A_57 : i32 to index
      %swap3A_59 = arith.index_cast %multiple_of3A_13 : i32 to index
      %swap3A_60 = tpu.vector_load %arg7[%swap3A_58, %swap3A_59] {strides = array<i32>} : memref<32x512xf32, #tpu.memory_space<vmem>>, vector<16xf32>,
      tpu.vector_store %arg7[%swap3A_58, %swap3A_59], %gather3A_56 {strides = array<i32>} : memref<32x512xf32, #tpu.memory_space<vmem>>, vector<16xf32>,
      %broadcast_in_dim3A_61 = arith.constant 7 : i32
      %broadcast_in_dim3A_62 = vector.broadcast %broadcast_in_dim3A_61 : i32 to vector<16xi32>
      %gather3A_63 = tpu.vector_load_idx %arg5[%broadcast_in_dim3A_62, %get3A_14] : memref<32x32xf32, #tpu.memory_space<vmem>>[vector<16xi32>, vector<16xi32>], vector<16xf32>,
      %swap3A_64 = arith.constant 7 : i32
      %swap3A_65 = arith.index_cast %swap3A_64 : i32 to index
      %swap3A_66 = arith.index_cast %multiple_of3A_13 : i32 to index
      %swap3A_67 = tpu.vector_load %arg7[%swap3A_65, %swap3A_66] {strides = array<i32>} : memref<32x512xf32, #tpu.memory_space<vmem>>, vector<16xf32>,
      tpu.vector_store %arg7[%swap3A_65, %swap3A_66], %gather3A_63 {strides = array<i32>} : memref<32x512xf32, #tpu.memory_space<vmem>>, vector<16xf32>,
      %broadcast_in_dim3A_68 = arith.constant 8 : i32
      %broadcast_in_dim3A_69 = vector.broadcast %broadcast_in_dim3A_68 : i32 to vector<16xi32>
      %gather3A_70 = tpu.vector_load_idx %arg5[%broadcast_in_dim3A_69, %get3A_14] : memref<32x32xf32, #tpu.memory_space<vmem>>[vector<16xi32>, vector<16xi32>], vector<16xf32>,
      %swap3A_71 = arith.constant 8 : i32
      %swap3A_72 = arith.index_cast %swap3A_71 : i32 to index
      %swap3A_73 = arith.index_cast %multiple_of3A_13 : i32 to index
      %swap3A_74 = tpu.vector_load %arg7[%swap3A_72, %swap3A_73] {strides = array<i32>} : memref<32x512xf32, #tpu.memory_space<vmem>>, vector<16xf32>,
      tpu.vector_store %arg7[%swap3A_72, %swap3A_73], %gather3A_70 {strides = array<i32>} : memref<32x512xf32, #tpu.memory_space<vmem>>, vector<16xf32>,
      %broadcast_in_dim3A_75 = arith.constant 9 : i32
      %broadcast_in_dim3A_76 = vector.broadcast %broadcast_in_dim3A_75 : i32 to vector<16xi32>
      %gather3A_77 = tpu.vector_load_idx %arg5[%broadcast_in_dim3A_76, %get3A_14] : memref<32x32xf32, #tpu.memory_space<vmem>>[vector<16xi32>, vector<16xi32>], vector<16xf32>,
      %swap3A_78 = arith.constant 9 : i32
      %swap3A_79 = arith.index_cast %swap3A_78 : i32 to index
      %swap3A_80 = arith.index_cast %multiple_of3A_13 : i32 to index
      %swap3A_81 = tpu.vector_load %arg7[%swap3A_79, %swap3A_80] {strides = array<i32>} : memref<32x512xf32, #tpu.memory_space<vmem>>, vector<16xf32>,
      tpu.vector_store %arg7[%swap3A_79, %swap3A_80], %gather3A_77 {strides = array<i32>} : memref<32x512xf32, #tpu.memory_space<vmem>>, vector<16xf32>,
      %broadcast_in_dim3A_82 = arith.constant 10 : i32
      %broadcast_in_dim3A_83 = vector.broadcast %broadcast_in_dim3A_82 : i32 to vector<16xi32>
      %gather3A_84 = tpu.vector_load_idx %arg5[%broadcast_in_dim3A_83, %get3A_14] : memref<32x32xf32, #tpu.memory_space<vmem>>[vector<16xi32>, vector<16xi32>], vector<16xf32>,
      %swap3A_85 = arith.constant 10 : i32
      %swap3A_86 = arith.index_cast %swap3A_85 : i32 to index
      %swap3A_87 = arith.index_cast %multiple_of3A_13 : i32 to index
      %swap3A_88 = tpu.vector_load %arg7[%swap3A_86, %swap3A_87] {strides = array<i32>} : memref<32x512xf32, #tpu.memory_space<vmem>>, vector<16xf32>,
      tpu.vector_store %arg7[%swap3A_86, %swap3A_87], %gather3A_84 {strides = array<i32>} : memref<32x512xf32, #tpu.memory_space<vmem>>, vector<16xf32>,
      %broadcast_in_dim3A_89 = arith.constant 11 : i32
      %broadcast_in_dim3A_90 = vector.broadcast %broadcast_in_dim3A_89 : i32 to vector<16xi32>
      %gather3A_91 = tpu.vector_load_idx %arg5[%broadcast_in_dim3A_90, %get3A_14] : memref<32x32xf32, #tpu.memory_space<vmem>>[vector<16xi32>, vector<16xi32>], vector<16xf32>,
      %swap3A_92 = arith.constant 11 : i32
      %swap3A_93 = arith.index_cast %swap3A_92 : i32 to index
      %swap3A_94 = arith.index_cast %multiple_of3A_13 : i32 to index
      %swap3A_95 = tpu.vector_load %arg7[%swap3A_93, %swap3A_94] {strides = array<i32>} : memref<32x512xf32, #tpu.memory_space<vmem>>, vector<16xf32>,
      tpu.vector_store %arg7[%swap3A_93, %swap3A_94], %gather3A_91 {strides = array<i32>} : memref<32x512xf32, #tpu.memory_space<vmem>>, vector<16xf32>,
      %broadcast_in_dim3A_96 = arith.constant 12 : i32
      %broadcast_in_dim3A_97 = vector.broadcast %broadcast_in_dim3A_96 : i32 to vector<16xi32>
      %gather3A_98 = tpu.vector_load_idx %arg5[%broadcast_in_dim3A_97, %get3A_14] : memref<32x32xf32, #tpu.memory_space<vmem>>[vector<16xi32>, vector<16xi32>], vector<16xf32>,
      %swap3A_99 = arith.constant 12 : i32
      %swap3A_100 = arith.index_cast %swap3A_99 : i32 to index
      %swap3A_101 = arith.index_cast %multiple_of3A_13 : i32 to index
      %swap3A_102 = tpu.vector_load %arg7[%swap3A_100, %swap3A_101] {strides = array<i32>} : memref<32x512xf32, #tpu.memory_space<vmem>>, vector<16xf32>,
      tpu.vector_store %arg7[%swap3A_100, %swap3A_101], %gather3A_98 {strides = array<i32>} : memref<32x512xf32, #tpu.memory_space<vmem>>, vector<16xf32>,
      %broadcast_in_dim3A_103 = arith.constant 13 : i32
      %broadcast_in_dim3A_104 = vector.broadcast %broadcast_in_dim3A_103 : i32 to vector<16xi32>
      %gather3A_105 = tpu.vector_load_idx %arg5[%broadcast_in_dim3A_104, %get3A_14] : memref<32x32xf32, #tpu.memory_space<vmem>>[vector<16xi32>, vector<16xi32>], vector<16xf32>,
      %swap3A_106 = arith.constant 13 : i32
      %swap3A_107 = arith.index_cast %swap3A_106 : i32 to index
      %swap3A_108 = arith.index_cast %multiple_of3A_13 : i32 to index
      %swap3A_109 = tpu.vector_load %arg7[%swap3A_107, %swap3A_108] {strides = array<i32>} : memref<32x512xf32, #tpu.memory_space<vmem>>, vector<16xf32>,
      tpu.vector_store %arg7[%swap3A_107, %swap3A_108], %gather3A_105 {strides = array<i32>} : memref<32x512xf32, #tpu.memory_space<vmem>>, vector<16xf32>,
      %broadcast_in_dim3A_110 = arith.constant 14 : i32
      %broadcast_in_dim3A_111 = vector.broadcast %broadcast_in_dim3A_110 : i32 to vector<16xi32>
      %gather3A_112 = tpu.vector_load_idx %arg5[%broadcast_in_dim3A_111, %get3A_14] : memref<32x32xf32, #tpu.memory_space<vmem>>[vector<16xi32>, vector<16xi32>], vector<16xf32>,
      %swap3A_113 = arith.constant 14 : i32
      %swap3A_114 = arith.index_cast %swap3A_113 : i32 to index
      %swap3A_115 = arith.index_cast %multiple_of3A_13 : i32 to index
      %swap3A_116 = tpu.vector_load %arg7[%swap3A_114, %swap3A_115] {strides = array<i32>} : memref<32x512xf32, #tpu.memory_space<vmem>>, vector<16xf32>,
      tpu.vector_store %arg7[%swap3A_114, %swap3A_115], %gather3A_112 {strides = array<i32>} : memref<32x512xf32, #tpu.memory_space<vmem>>, vector<16xf32>,
      %broadcast_in_dim3A_117 = arith.constant 15 : i32
      %broadcast_in_dim3A_118 = vector.broadcast %broadcast_in_dim3A_117 : i32 to vector<16xi32>
      %gather3A_119 = tpu.vector_load_idx %arg5[%broadcast_in_dim3A_118, %get3A_14] : memref<32x32xf32, #tpu.memory_space<vmem>>[vector<16xi32>, vector<16xi32>], vector<16xf32>,
      %swap3A_120 = arith.constant 15 : i32
      %swap3A_121 = arith.index_cast %swap3A_120 : i32 to index
      %swap3A_122 = arith.index_cast %multiple_of3A_13 : i32 to index
      %swap3A_123 = tpu.vector_load %arg7[%swap3A_121, %swap3A_122] {strides = array<i32>} : memref<32x512xf32, #tpu.memory_space<vmem>>, vector<16xf32>,
      tpu.vector_store %arg7[%swap3A_121, %swap3A_122], %gather3A_119 {strides = array<i32>} : memref<32x512xf32, #tpu.memory_space<vmem>>, vector<16xf32>,
      %broadcast_in_dim3A_124 = arith.constant 16 : i32
      %broadcast_in_dim3A_125 = vector.broadcast %broadcast_in_dim3A_124 : i32 to vector<16xi32>
      %gather3A_126 = tpu.vector_load_idx %arg5[%broadcast_in_dim3A_125, %get3A_14] : memref<32x32xf32, #tpu.memory_space<vmem>>[vector<16xi32>, vector<16xi32>], vector<16xf32>,
      %swap3A_127 = arith.constant 16 : i32
      %swap3A_128 = arith.index_cast %swap3A_127 : i32 to index
      %swap3A_129 = arith.index_cast %multiple_of3A_13 : i32 to index
      %swap3A_130 = tpu.vector_load %arg7[%swap3A_128, %swap3A_129] {strides = array<i32>} : memref<32x512xf32, #tpu.memory_space<vmem>>, vector<16xf32>,
      tpu.vector_store %arg7[%swap3A_128, %swap3A_129], %gather3A_126 {strides = array<i32>} : memref<32x512xf32, #tpu.memory_space<vmem>>, vector<16xf32>,
      %broadcast_in_dim3A_131 = arith.constant 17 : i32
      %broadcast_in_dim3A_132 = vector.broadcast %broadcast_in_dim3A_131 : i32 to vector<16xi32>
      %gather3A_133 = tpu.vector_load_idx %arg5[%broadcast_in_dim3A_132, %get3A_14] : memref<32x32xf32, #tpu.memory_space<vmem>>[vector<16xi32>, vector<16xi32>], vector<16xf32>,
      %swap3A_134 = arith.constant 17 : i32
      %swap3A_135 = arith.index_cast %swap3A_134 : i32 to index
      %swap3A_136 = arith.index_cast %multiple_of3A_13 : i32 to index
      %swap3A_137 = tpu.vector_load %arg7[%swap3A_135, %swap3A_136] {strides = array<i32>} : memref<32x512xf32, #tpu.memory_space<vmem>>, vector<16xf32>,
      tpu.vector_store %arg7[%swap3A_135, %swap3A_136], %gather3A_133 {strides = array<i32>} : memref<32x512xf32, #tpu.memory_space<vmem>>, vector<16xf32>,
      %broadcast_in_dim3A_138 = arith.constant 18 : i32
      %broadcast_in_dim3A_139 = vector.broadcast %broadcast_in_dim3A_138 : i32 to vector<16xi32>
      %gather3A_140 = tpu.vector_load_idx %arg5[%broadcast_in_dim3A_139, %get3A_14] : memref<32x32xf32, #tpu.memory_space<vmem>>[vector<16xi32>, vector<16xi32>], vector<16xf32>,
      %swap3A_141 = arith.constant 18 : i32
      %swap3A_142 = arith.index_cast %swap3A_141 : i32 to index
      %swap3A_143 = arith.index_cast %multiple_of3A_13 : i32 to index
      %swap3A_144 = tpu.vector_load %arg7[%swap3A_142, %swap3A_143] {strides = array<i32>} : memref<32x512xf32, #tpu.memory_space<vmem>>, vector<16xf32>,
      tpu.vector_store %arg7[%swap3A_142, %swap3A_143], %gather3A_140 {strides = array<i32>} : memref<32x512xf32, #tpu.memory_space<vmem>>, vector<16xf32>,
      %broadcast_in_dim3A_145 = arith.constant 19 : i32
      %broadcast_in_dim3A_146 = vector.broadcast %broadcast_in_dim3A_145 : i32 to vector<16xi32>
      %gather3A_147 = tpu.vector_load_idx %arg5[%broadcast_in_dim3A_146, %get3A_14] : memref<32x32xf32, #tpu.memory_space<vmem>>[vector<16xi32>, vector<16xi32>], vector<16xf32>,
      %swap3A_148 = arith.constant 19 : i32
      %swap3A_149 = arith.index_cast %swap3A_148 : i32 to index
      %swap3A_150 = arith.index_cast %multiple_of3A_13 : i32 to index
      %swap3A_151 = tpu.vector_load %arg7[%swap3A_149, %swap3A_150] {strides = array<i32>} : memref<32x512xf32, #tpu.memory_space<vmem>>, vector<16xf32>,
      tpu.vector_store %arg7[%swap3A_149, %swap3A_150], %gather3A_147 {strides = array<i32>} : memref<32x512xf32, #tpu.memory_space<vmem>>, vector<16xf32>,
      %broadcast_in_dim3A_152 = arith.constant 20 : i32
      %broadcast_in_dim3A_153 = vector.broadcast %broadcast_in_dim3A_152 : i32 to vector<16xi32>
      %gather3A_154 = tpu.vector_load_idx %arg5[%broadcast_in_dim3A_153, %get3A_14] : memref<32x32xf32, #tpu.memory_space<vmem>>[vector<16xi32>, vector<16xi32>], vector<16xf32>,
      %swap3A_155 = arith.constant 20 : i32
      %swap3A_156 = arith.index_cast %swap3A_155 : i32 to index
      %swap3A_157 = arith.index_cast %multiple_of3A_13 : i32 to index
      %swap3A_158 = tpu.vector_load %arg7[%swap3A_156, %swap3A_157] {strides = array<i32>} : memref<32x512xf32, #tpu.memory_space<vmem>>, vector<16xf32>,
      tpu.vector_store %arg7[%swap3A_156, %swap3A_157], %gather3A_154 {strides = array<i32>} : memref<32x512xf32, #tpu.memory_space<vmem>>, vector<16xf32>,
      %broadcast_in_dim3A_159 = arith.constant 21 : i32
      %broadcast_in_dim3A_160 = vector.broadcast %broadcast_in_dim3A_159 : i32 to vector<16xi32>
      %gather3A_161 = tpu.vector_load_idx %arg5[%broadcast_in_dim3A_160, %get3A_14] : memref<32x32xf32, #tpu.memory_space<vmem>>[vector<16xi32>, vector<16xi32>], vector<16xf32>,
      %swap3A_162 = arith.constant 21 : i32
      %swap3A_163 = arith.index_cast %swap3A_162 : i32 to index
      %swap3A_164 = arith.index_cast %multiple_of3A_13 : i32 to index
      %swap3A_165 = tpu.vector_load %arg7[%swap3A_163, %swap3A_164] {strides = array<i32>} : memref<32x512xf32, #tpu.memory_space<vmem>>, vector<16xf32>,
      tpu.vector_store %arg7[%swap3A_163, %swap3A_164], %gather3A_161 {strides = array<i32>} : memref<32x512xf32, #tpu.memory_space<vmem>>, vector<16xf32>,
      %broadcast_in_dim3A_166 = arith.constant 22 : i32
      %broadcast_in_dim3A_167 = vector.broadcast %broadcast_in_dim3A_166 : i32 to vector<16xi32>
      %gather3A_168 = tpu.vector_load_idx %arg5[%broadcast_in_dim3A_167, %get3A_14] : memref<32x32xf32, #tpu.memory_space<vmem>>[vector<16xi32>, vector<16xi32>], vector<16xf32>,
      %swap3A_169 = arith.constant 22 : i32
      %swap3A_170 = arith.index_cast %swap3A_169 : i32 to index
      %swap3A_171 = arith.index_cast %multiple_of3A_13 : i32 to index
      %swap3A_172 = tpu.vector_load %arg7[%swap3A_170, %swap3A_171] {strides = array<i32>} : memref<32x512xf32, #tpu.memory_space<vmem>>, vector<16xf32>,
      tpu.vector_store %arg7[%swap3A_170, %swap3A_171], %gather3A_168 {strides = array<i32>} : memref<32x512xf32, #tpu.memory_space<vmem>>, vector<16xf32>,
      %broadcast_in_dim3A_173 = arith.constant 23 : i32
      %broadcast_in_dim3A_174 = vector.broadcast %broadcast_in_dim3A_173 : i32 to vector<16xi32>
      %gather3A_175 = tpu.vector_load_idx %arg5[%broadcast_in_dim3A_174, %get3A_14] : memref<32x32xf32, #tpu.memory_space<vmem>>[vector<16xi32>, vector<16xi32>], vector<16xf32>,
      %swap3A_176 = arith.constant 23 : i32
      %swap3A_177 = arith.index_cast %swap3A_176 : i32 to index
      %swap3A_178 = arith.index_cast %multiple_of3A_13 : i32 to index
      %swap3A_179 = tpu.vector_load %arg7[%swap3A_177, %swap3A_178] {strides = array<i32>} : memref<32x512xf32, #tpu.memory_space<vmem>>, vector<16xf32>,
      tpu.vector_store %arg7[%swap3A_177, %swap3A_178], %gather3A_175 {strides = array<i32>} : memref<32x512xf32, #tpu.memory_space<vmem>>, vector<16xf32>,
      %broadcast_in_dim3A_180 = arith.constant 24 : i32
      %broadcast_in_dim3A_181 = vector.broadcast %broadcast_in_dim3A_180 : i32 to vector<16xi32>
      %gather3A_182 = tpu.vector_load_idx %arg5[%broadcast_in_dim3A_181, %get3A_14] : memref<32x32xf32, #tpu.memory_space<vmem>>[vector<16xi32>, vector<16xi32>], vector<16xf32>,
      %swap3A_183 = arith.constant 24 : i32
      %swap3A_184 = arith.index_cast %swap3A_183 : i32 to index
      %swap3A_185 = arith.index_cast %multiple_of3A_13 : i32 to index
      %swap3A_186 = tpu.vector_load %arg7[%swap3A_184, %swap3A_185] {strides = array<i32>} : memref<32x512xf32, #tpu.memory_space<vmem>>, vector<16xf32>,
      tpu.vector_store %arg7[%swap3A_184, %swap3A_185], %gather3A_182 {strides = array<i32>} : memref<32x512xf32, #tpu.memory_space<vmem>>, vector<16xf32>,
      %broadcast_in_dim3A_187 = arith.constant 25 : i32
      %broadcast_in_dim3A_188 = vector.broadcast %broadcast_in_dim3A_187 : i32 to vector<16xi32>
      %gather3A_189 = tpu.vector_load_idx %arg5[%broadcast_in_dim3A_188, %get3A_14] : memref<32x32xf32, #tpu.memory_space<vmem>>[vector<16xi32>, vector<16xi32>], vector<16xf32>,
      %swap3A_190 = arith.constant 25 : i32
      %swap3A_191 = arith.index_cast %swap3A_190 : i32 to index
      %swap3A_192 = arith.index_cast %multiple_of3A_13 : i32 to index
      %swap3A_193 = tpu.vector_load %arg7[%swap3A_191, %swap3A_192] {strides = array<i32>} : memref<32x512xf32, #tpu.memory_space<vmem>>, vector<16xf32>,
      tpu.vector_store %arg7[%swap3A_191, %swap3A_192], %gather3A_189 {strides = array<i32>} : memref<32x512xf32, #tpu.memory_space<vmem>>, vector<16xf32>,
      %broadcast_in_dim3A_194 = arith.constant 26 : i32
      %broadcast_in_dim3A_195 = vector.broadcast %broadcast_in_dim3A_194 : i32 to vector<16xi32>
      %gather3A_196 = tpu.vector_load_idx %arg5[%broadcast_in_dim3A_195, %get3A_14] : memref<32x32xf32, #tpu.memory_space<vmem>>[vector<16xi32>, vector<16xi32>], vector<16xf32>,
      %swap3A_197 = arith.constant 26 : i32
      %swap3A_198 = arith.index_cast %swap3A_197 : i32 to index
      %swap3A_199 = arith.index_cast %multiple_of3A_13 : i32 to index
      %swap3A_200 = tpu.vector_load %arg7[%swap3A_198, %swap3A_199] {strides = array<i32>} : memref<32x512xf32, #tpu.memory_space<vmem>>, vector<16xf32>,
      tpu.vector_store %arg7[%swap3A_198, %swap3A_199], %gather3A_196 {strides = array<i32>} : memref<32x512xf32, #tpu.memory_space<vmem>>, vector<16xf32>,
    }
    %scan3A_9 = arith.constant 32 : i32
    "tpu.region"() ({
      %run_scoped3A = tpu.sem_alloc : memref<!tpu.dma_semaphore, #tpu.memory_space<semaphore_mem>>
      %dma_start3A_10 = arith.constant 0 : i32
      %dma_start3A_11 = tpu.memref_slice %arg4[%dma_start3A_10, %multiple_of3A] : memref<32x16384xf32, #tpu.memory_space<hbm>> -> memref<32x512xf32, #tpu.memory_space<hbm>>
      %dma_start3A_12 = arith.constant 0 : i32
      %dma_start3A_13 = tpu.memref_slice %arg4[%dma_start3A_12, %multiple_of3A] : memref<32x16384xf32, #tpu.memory_space<hbm>> -> memref<32x512xf32, #tpu.memory_space<hbm>>
      tpu.enqueue_dma source(%arg7 : memref<32x512xf32, #tpu.memory_space<vmem>>) target(%dma_start3A_13 : memref<32x512xf32, #tpu.memory_space<hbm>>) target_semaphore(%run_scoped3A : memref<!tpu.dma_semaphore, #tpu.memory_space<semaphore_mem>>)
      %dma_wait3A_14 = arith.constant 0 : i32
      %dma_wait3A_15 = tpu.memref_slice %arg4[%dma_wait3A_14, %multiple_of3A] : memref<32x16384xf32, #tpu.memory_space<hbm>> -> memref<32x512xf32, #tpu.memory_space<hbm>>
      %dma_wait3A_16 = arith.constant 0 : i32
      %dma_wait3A_17 = tpu.memref_slice %arg4[%dma_wait3A_16, %multiple_of3A] : memref<32x16384xf32, #tpu.memory_space<hbm>> -> memref<32x512xf32, #tpu.memory_space<hbm>>
      tpu.wait_dma2 semaphore(%run_scoped3A : memref<!tpu.dma_semaphore, #tpu.memory_space<semaphore_mem>>) src(%arg7 : memref<32x512xf32, #tpu.memory_space<vmem>>) dst(%dma_wait3A_17 : memref<32x512xf32, #tpu.memory_space<hbm>>)
      tpu.yield
    }) : () -> ()
    return
  }
}

module attributes {stable_mosaic.version = 14 : i64} {
  func.func @_tc_body(%arg0: memref<32x16384xf32, #tpu.memory_space<vmem>>, %arg1: memref<1x16384xi32, #tpu.memory_space<vmem>>) attributes {dimension_semantics = [], scalar_prefetch = 0 : i64, scratch_operands = 0 : i64, tpu.core_type = #tpu.core_type<tc>} {
    %iota3A = tpu.iota {dimensions = array<i32: 0>} : vector<32x16384xi32>
    %iota3A_0 = tpu.iota {dimensions = array<i32: 1>} : vector<32x16384xi32>
    %mul3A = arith.constant 27 : i32
    %mul3A_1 = vector.broadcast %mul3A : i32 to vector<32x16384xi32>
    %mul3A_2 = arith.muli %iota3A_0, %mul3A_1 : vector<32x16384xi32>
    %add3A = arith.addi %mul3A_2, %iota3A : vector<32x16384xi32>
    %broadcast_in_dim3A = arith.constant 0 : i32
    %broadcast_in_dim3A_3 = vector.broadcast %broadcast_in_dim3A : i32 to vector<32x16384xi32>
    %add3A_4 = arith.constant 0 : i32
    %add3A_5 = vector.broadcast %add3A_4 : i32 to vector<32x16384xi32>
    %add3A_6 = arith.addi %broadcast_in_dim3A_3, %add3A_5 : vector<32x16384xi32>
    %add3A_7 = arith.constant 42 : i32
    %add3A_8 = vector.broadcast %add3A_7 : i32 to vector<32x16384xi32>
    %add3A_9 = arith.addi %add3A, %add3A_8 : vector<32x16384xi32>
    %add3A_10 = arith.addi %add3A_6, %add3A_9 : vector<32x16384xi32>
    %shift_left3A = arith.constant 13 : i32
    %shift_left3A_11 = vector.broadcast %shift_left3A : i32 to vector<32x16384xi32>
    %shift_left3A_12 = arith.shli %add3A_9, %shift_left3A_11 : vector<32x16384xi32>
    %shift_right_logical3A = arith.constant 19 : i32
    %shift_right_logical3A_13 = vector.broadcast %shift_right_logical3A : i32 to vector<32x16384xi32>
    %shift_right_logical3A_14 = arith.shrui %add3A_9, %shift_right_logical3A_13 : vector<32x16384xi32>
    %or3A = arith.ori %shift_left3A_12, %shift_right_logical3A_14 : vector<32x16384xi32>
    %xor3A = arith.xori %add3A_10, %or3A : vector<32x16384xi32>
    %add3A_15 = arith.addi %add3A_10, %xor3A : vector<32x16384xi32>
    %shift_left3A_16 = arith.constant 15 : i32
    %shift_left3A_17 = vector.broadcast %shift_left3A_16 : i32 to vector<32x16384xi32>
    %shift_left3A_18 = arith.shli %xor3A, %shift_left3A_17 : vector<32x16384xi32>
    %shift_right_logical3A_19 = arith.constant 17 : i32
    %shift_right_logical3A_20 = vector.broadcast %shift_right_logical3A_19 : i32 to vector<32x16384xi32>
    %shift_right_logical3A_21 = arith.shrui %xor3A, %shift_right_logical3A_20 : vector<32x16384xi32>
    %or3A_22 = arith.ori %shift_left3A_18, %shift_right_logical3A_21 : vector<32x16384xi32>
    %xor3A_23 = arith.xori %add3A_15, %or3A_22 : vector<32x16384xi32>
    %add3A_24 = arith.addi %add3A_15, %xor3A_23 : vector<32x16384xi32>
    %shift_left3A_25 = arith.constant 26 : i32
    %shift_left3A_26 = vector.broadcast %shift_left3A_25 : i32 to vector<32x16384xi32>
    %shift_left3A_27 = arith.shli %xor3A_23, %shift_left3A_26 : vector<32x16384xi32>
    %shift_right_logical3A_28 = arith.constant 6 : i32
    %shift_right_logical3A_29 = vector.broadcast %shift_right_logical3A_28 : i32 to vector<32x16384xi32>
    %shift_right_logical3A_30 = arith.shrui %xor3A_23, %shift_right_logical3A_29 : vector<32x16384xi32>
    %or3A_31 = arith.ori %shift_left3A_27, %shift_right_logical3A_30 : vector<32x16384xi32>
    %xor3A_32 = arith.xori %add3A_24, %or3A_31 : vector<32x16384xi32>
    %add3A_33 = arith.addi %add3A_24, %xor3A_32 : vector<32x16384xi32>
    %shift_left3A_34 = arith.constant 6 : i32
    %shift_left3A_35 = vector.broadcast %shift_left3A_34 : i32 to vector<32x16384xi32>
    %shift_left3A_36 = arith.shli %xor3A_32, %shift_left3A_35 : vector<32x16384xi32>
    %shift_right_logical3A_37 = arith.constant 26 : i32
    %shift_right_logical3A_38 = vector.broadcast %shift_right_logical3A_37 : i32 to vector<32x16384xi32>
    %shift_right_logical3A_39 = arith.shrui %xor3A_32, %shift_right_logical3A_38 : vector<32x16384xi32>
    %or3A_40 = arith.ori %shift_left3A_36, %shift_right_logical3A_39 : vector<32x16384xi32>
    %xor3A_41 = arith.xori %add3A_33, %or3A_40 : vector<32x16384xi32>
    %add3A_42 = arith.constant 42 : i32
    %add3A_43 = vector.broadcast %add3A_42 : i32 to vector<32x16384xi32>
    %add3A_44 = arith.addi %add3A_33, %add3A_43 : vector<32x16384xi32>
    %add3A_45 = arith.constant 466689008 : i32
    %add3A_46 = vector.broadcast %add3A_45 : i32 to vector<32x16384xi32>
    %add3A_47 = arith.addi %xor3A_41, %add3A_46 : vector<32x16384xi32>
    %add3A_48 = arith.constant 1 : i32
    %add3A_49 = vector.broadcast %add3A_48 : i32 to vector<32x16384xi32>
    %add3A_50 = arith.addi %add3A_47, %add3A_49 : vector<32x16384xi32>
    %add3A_51 = arith.addi %add3A_44, %add3A_50 : vector<32x16384xi32>
    %shift_left3A_52 = arith.constant 17 : i32
    %shift_left3A_53 = vector.broadcast %shift_left3A_52 : i32 to vector<32x16384xi32>
    %shift_left3A_54 = arith.shli %add3A_50, %shift_left3A_53 : vector<32x16384xi32>
    %shift_right_logical3A_55 = arith.constant 15 : i32
    %shift_right_logical3A_56 = vector.broadcast %shift_right_logical3A_55 : i32 to vector<32x16384xi32>
    %shift_right_logical3A_57 = arith.shrui %add3A_50, %shift_right_logical3A_56 : vector<32x16384xi32>
    %or3A_58 = arith.ori %shift_left3A_54, %shift_right_logical3A_57 : vector<32x16384xi32>
    %xor3A_59 = arith.xori %add3A_51, %or3A_58 : vector<32x16384xi32>
    %add3A_60 = arith.addi %add3A_51, %xor3A_59 : vector<32x16384xi32>
    %shift_left3A_61 = arith.constant 29 : i32
    %shift_left3A_62 = vector.broadcast %shift_left3A_61 : i32 to vector<32x16384xi32>
    %shift_left3A_63 = arith.shli %xor3A_59, %shift_left3A_62 : vector<32x16384xi32>
    %shift_right_logical3A_64 = arith.constant 3 : i32
    %shift_right_logical3A_65 = vector.broadcast %shift_right_logical3A_64 : i32 to vector<32x16384xi32>
    %shift_right_logical3A_66 = arith.shrui %xor3A_59, %shift_right_logical3A_65 : vector<32x16384xi32>
    %or3A_67 = arith.ori %shift_left3A_63, %shift_right_logical3A_66 : vector<32x16384xi32>
    %xor3A_68 = arith.xori %add3A_60, %or3A_67 : vector<32x16384xi32>
    %add3A_69 = arith.addi %add3A_60, %xor3A_68 : vector<32x16384xi32>
    %shift_left3A_70 = arith.constant 16 : i32
    %shift_left3A_71 = vector.broadcast %shift_left3A_70 : i32 to vector<32x16384xi32>
    %shift_left3A_72 = arith.shli %xor3A_68, %shift_left3A_71 : vector<32x16384xi32>
    %shift_right_logical3A_73 = arith.constant 16 : i32
    %shift_right_logical3A_74 = vector.broadcast %shift_right_logical3A_73 : i32 to vector<32x16384xi32>
    %shift_right_logical3A_75 = arith.shrui %xor3A_68, %shift_right_logical3A_74 : vector<32x16384xi32>
    %or3A_76 = arith.ori %shift_left3A_72, %shift_right_logical3A_75 : vector<32x16384xi32>
    %xor3A_77 = arith.xori %add3A_69, %or3A_76 : vector<32x16384xi32>
    %add3A_78 = arith.addi %add3A_69, %xor3A_77 : vector<32x16384xi32>
    %shift_left3A_79 = arith.constant 24 : i32
    %shift_left3A_80 = vector.broadcast %shift_left3A_79 : i32 to vector<32x16384xi32>
    %shift_left3A_81 = arith.shli %xor3A_77, %shift_left3A_80 : vector<32x16384xi32>
    %shift_right_logical3A_82 = arith.constant 8 : i32
    %shift_right_logical3A_83 = vector.broadcast %shift_right_logical3A_82 : i32 to vector<32x16384xi32>
    %shift_right_logical3A_84 = arith.shrui %xor3A_77, %shift_right_logical3A_83 : vector<32x16384xi32>
    %or3A_85 = arith.ori %shift_left3A_81, %shift_right_logical3A_84 : vector<32x16384xi32>
    %xor3A_86 = arith.xori %add3A_78, %or3A_85 : vector<32x16384xi32>
    %add3A_87 = arith.constant 466689008 : i32
    %add3A_88 = vector.broadcast %add3A_87 : i32 to vector<32x16384xi32>
    %add3A_89 = arith.addi %add3A_78, %add3A_88 : vector<32x16384xi32>
    %add3A_90 = arith.constant 0 : i32
    %add3A_91 = vector.broadcast %add3A_90 : i32 to vector<32x16384xi32>
    %add3A_92 = arith.addi %xor3A_86, %add3A_91 : vector<32x16384xi32>
    %add3A_93 = arith.constant 2 : i32
    %add3A_94 = vector.broadcast %add3A_93 : i32 to vector<32x16384xi32>
    %add3A_95 = arith.addi %add3A_92, %add3A_94 : vector<32x16384xi32>
    %add3A_96 = arith.addi %add3A_89, %add3A_95 : vector<32x16384xi32>
    %shift_left3A_97 = arith.constant 13 : i32
    %shift_left3A_98 = vector.broadcast %shift_left3A_97 : i32 to vector<32x16384xi32>
    %shift_left3A_99 = arith.shli %add3A_95, %shift_left3A_98 : vector<32x16384xi32>
    %shift_right_logical3A_100 = arith.constant 19 : i32
    %shift_right_logical3A_101 = vector.broadcast %shift_right_logical3A_100 : i32 to vector<32x16384xi32>
    %shift_right_logical3A_102 = arith.shrui %add3A_95, %shift_right_logical3A_101 : vector<32x16384xi32>
    %or3A_103 = arith.ori %shift_left3A_99, %shift_right_logical3A_102 : vector<32x16384xi32>
    %xor3A_104 = arith.xori %add3A_96, %or3A_103 : vector<32x16384xi32>
    %add3A_105 = arith.addi %add3A_96, %xor3A_104 : vector<32x16384xi32>
    %shift_left3A_106 = arith.constant 15 : i32
    %shift_left3A_107 = vector.broadcast %shift_left3A_106 : i32 to vector<32x16384xi32>
    %shift_left3A_108 = arith.shli %xor3A_104, %shift_left3A_107 : vector<32x16384xi32>
    %shift_right_logical3A_109 = arith.constant 17 : i32
    %shift_right_logical3A_110 = vector.broadcast %shift_right_logical3A_109 : i32 to vector<32x16384xi32>
    %shift_right_logical3A_111 = arith.shrui %xor3A_104, %shift_right_logical3A_110 : vector<32x16384xi32>
    %or3A_112 = arith.ori %shift_left3A_108, %shift_right_logical3A_111 : vector<32x16384xi32>
    %xor3A_113 = arith.xori %add3A_105, %or3A_112 : vector<32x16384xi32>
    %add3A_114 = arith.addi %add3A_105, %xor3A_113 : vector<32x16384xi32>
    %shift_left3A_115 = arith.constant 26 : i32
    %shift_left3A_116 = vector.broadcast %shift_left3A_115 : i32 to vector<32x16384xi32>
    %shift_left3A_117 = arith.shli %xor3A_113, %shift_left3A_116 : vector<32x16384xi32>
    %shift_right_logical3A_118 = arith.constant 6 : i32
    %shift_right_logical3A_119 = vector.broadcast %shift_right_logical3A_118 : i32 to vector<32x16384xi32>
    %shift_right_logical3A_120 = arith.shrui %xor3A_113, %shift_right_logical3A_119 : vector<32x16384xi32>
    %or3A_121 = arith.ori %shift_left3A_117, %shift_right_logical3A_120 : vector<32x16384xi32>
    %xor3A_122 = arith.xori %add3A_114, %or3A_121 : vector<32x16384xi32>
    %add3A_123 = arith.addi %add3A_114, %xor3A_122 : vector<32x16384xi32>
    %shift_left3A_124 = arith.constant 6 : i32
    %shift_left3A_125 = vector.broadcast %shift_left3A_124 : i32 to vector<32x16384xi32>
    %shift_left3A_126 = arith.shli %xor3A_122, %shift_left3A_125 : vector<32x16384xi32>
    %shift_right_logical3A_127 = arith.constant 26 : i32
    %shift_right_logical3A_128 = vector.broadcast %shift_right_logical3A_127 : i32 to vector<32x16384xi32>
    %shift_right_logical3A_129 = arith.shrui %xor3A_122, %shift_right_logical3A_128 : vector<32x16384xi32>
    %or3A_130 = arith.ori %shift_left3A_126, %shift_right_logical3A_129 : vector<32x16384xi32>
    %xor3A_131 = arith.xori %add3A_123, %or3A_130 : vector<32x16384xi32>
    %add3A_132 = arith.constant 0 : i32
    %add3A_133 = vector.broadcast %add3A_132 : i32 to vector<32x16384xi32>
    %add3A_134 = arith.addi %add3A_123, %add3A_133 : vector<32x16384xi32>
    %add3A_135 = arith.constant 42 : i32
    %add3A_136 = vector.broadcast %add3A_135 : i32 to vector<32x16384xi32>
    %add3A_137 = arith.addi %xor3A_131, %add3A_136 : vector<32x16384xi32>
    %add3A_138 = arith.constant 3 : i32
    %add3A_139 = vector.broadcast %add3A_138 : i32 to vector<32x16384xi32>
    %add3A_140 = arith.addi %add3A_137, %add3A_139 : vector<32x16384xi32>
    %add3A_141 = arith.addi %add3A_134, %add3A_140 : vector<32x16384xi32>
    %shift_left3A_142 = arith.constant 17 : i32
    %shift_left3A_143 = vector.broadcast %shift_left3A_142 : i32 to vector<32x16384xi32>
    %shift_left3A_144 = arith.shli %add3A_140, %shift_left3A_143 : vector<32x16384xi32>
    %shift_right_logical3A_145 = arith.constant 15 : i32
    %shift_right_logical3A_146 = vector.broadcast %shift_right_logical3A_145 : i32 to vector<32x16384xi32>
    %shift_right_logical3A_147 = arith.shrui %add3A_140, %shift_right_logical3A_146 : vector<32x16384xi32>
    %or3A_148 = arith.ori %shift_left3A_144, %shift_right_logical3A_147 : vector<32x16384xi32>
    %xor3A_149 = arith.xori %add3A_141, %or3A_148 : vector<32x16384xi32>
    %add3A_150 = arith.addi %add3A_141, %xor3A_149 : vector<32x16384xi32>
    %shift_left3A_151 = arith.constant 29 : i32
    %shift_left3A_152 = vector.broadcast %shift_left3A_151 : i32 to vector<32x16384xi32>
    %shift_left3A_153 = arith.shli %xor3A_149, %shift_left3A_152 : vector<32x16384xi32>
    %shift_right_logical3A_154 = arith.constant 3 : i32
    %shift_right_logical3A_155 = vector.broadcast %shift_right_logical3A_154 : i32 to vector<32x16384xi32>
    %shift_right_logical3A_156 = arith.shrui %xor3A_149, %shift_right_logical3A_155 : vector<32x16384xi32>
    %or3A_157 = arith.ori %shift_left3A_153, %shift_right_logical3A_156 : vector<32x16384xi32>
    %xor3A_158 = arith.xori %add3A_150, %or3A_157 : vector<32x16384xi32>
    %add3A_159 = arith.addi %add3A_150, %xor3A_158 : vector<32x16384xi32>
    %shift_left3A_160 = arith.constant 16 : i32
    %shift_left3A_161 = vector.broadcast %shift_left3A_160 : i32 to vector<32x16384xi32>
    %shift_left3A_162 = arith.shli %xor3A_158, %shift_left3A_161 : vector<32x16384xi32>
    %shift_right_logical3A_163 = arith.constant 16 : i32
    %shift_right_logical3A_164 = vector.broadcast %shift_right_logical3A_163 : i32 to vector<32x16384xi32>
    %shift_right_logical3A_165 = arith.shrui %xor3A_158, %shift_right_logical3A_164 : vector<32x16384xi32>
    %or3A_166 = arith.ori %shift_left3A_162, %shift_right_logical3A_165 : vector<32x16384xi32>
    %xor3A_167 = arith.xori %add3A_159, %or3A_166 : vector<32x16384xi32>
    %add3A_168 = arith.addi %add3A_159, %xor3A_167 : vector<32x16384xi32>
    %shift_left3A_169 = arith.constant 24 : i32
    %shift_left3A_170 = vector.broadcast %shift_left3A_169 : i32 to vector<32x16384xi32>
    %shift_left3A_171 = arith.shli %xor3A_167, %shift_left3A_170 : vector<32x16384xi32>
    %shift_right_logical3A_172 = arith.constant 8 : i32
    %shift_right_logical3A_173 = vector.broadcast %shift_right_logical3A_172 : i32 to vector<32x16384xi32>
    %shift_right_logical3A_174 = arith.shrui %xor3A_167, %shift_right_logical3A_173 : vector<32x16384xi32>
    %or3A_175 = arith.ori %shift_left3A_171, %shift_right_logical3A_174 : vector<32x16384xi32>
    %xor3A_176 = arith.xori %add3A_168, %or3A_175 : vector<32x16384xi32>
    %add3A_177 = arith.constant 42 : i32
    %add3A_178 = vector.broadcast %add3A_177 : i32 to vector<32x16384xi32>
    %add3A_179 = arith.addi %add3A_168, %add3A_178 : vector<32x16384xi32>
    %add3A_180 = arith.constant 466689008 : i32
    %add3A_181 = vector.broadcast %add3A_180 : i32 to vector<32x16384xi32>
    %add3A_182 = arith.addi %xor3A_176, %add3A_181 : vector<32x16384xi32>
    %add3A_183 = arith.constant 4 : i32
    %add3A_184 = vector.broadcast %add3A_183 : i32 to vector<32x16384xi32>
    %add3A_185 = arith.addi %add3A_182, %add3A_184 : vector<32x16384xi32>
    %add3A_186 = arith.addi %add3A_179, %add3A_185 : vector<32x16384xi32>
    %shift_left3A_187 = arith.constant 13 : i32
    %shift_left3A_188 = vector.broadcast %shift_left3A_187 : i32 to vector<32x16384xi32>
    %shift_left3A_189 = arith.shli %add3A_185, %shift_left3A_188 : vector<32x16384xi32>
    %shift_right_logical3A_190 = arith.constant 19 : i32
    %shift_right_logical3A_191 = vector.broadcast %shift_right_logical3A_190 : i32 to vector<32x16384xi32>
    %shift_right_logical3A_192 = arith.shrui %add3A_185, %shift_right_logical3A_191 : vector<32x16384xi32>
    %or3A_193 = arith.ori %shift_left3A_189, %shift_right_logical3A_192 : vector<32x16384xi32>
    %xor3A_194 = arith.xori %add3A_186, %or3A_193 : vector<32x16384xi32>
    %add3A_195 = arith.addi %add3A_186, %xor3A_194 : vector<32x16384xi32>
    %shift_left3A_196 = arith.constant 15 : i32
    %shift_left3A_197 = vector.broadcast %shift_left3A_196 : i32 to vector<32x16384xi32>
    %shift_left3A_198 = arith.shli %xor3A_194, %shift_left3A_197 : vector<32x16384xi32>
    %shift_right_logical3A_199 = arith.constant 17 : i32
    %shift_right_logical3A_200 = vector.broadcast %shift_right_logical3A_199 : i32 to vector<32x16384xi32>
    %shift_right_logical3A_201 = arith.shrui %xor3A_194, %shift_right_logical3A_200 : vector<32x16384xi32>
    %or3A_202 = arith.ori %shift_left3A_198, %shift_right_logical3A_201 : vector<32x16384xi32>
    %xor3A_203 = arith.xori %add3A_195, %or3A_202 : vector<32x16384xi32>
    %add3A_204 = arith.addi %add3A_195, %xor3A_203 : vector<32x16384xi32>
    %shift_left3A_205 = arith.constant 26 : i32
    %shift_left3A_206 = vector.broadcast %shift_left3A_205 : i32 to vector<32x16384xi32>
    %shift_left3A_207 = arith.shli %xor3A_203, %shift_left3A_206 : vector<32x16384xi32>
    %shift_right_logical3A_208 = arith.constant 6 : i32
    %shift_right_logical3A_209 = vector.broadcast %shift_right_logical3A_208 : i32 to vector<32x16384xi32>
    %shift_right_logical3A_210 = arith.shrui %xor3A_203, %shift_right_logical3A_209 : vector<32x16384xi32>
    %or3A_211 = arith.ori %shift_left3A_207, %shift_right_logical3A_210 : vector<32x16384xi32>
    %xor3A_212 = arith.xori %add3A_204, %or3A_211 : vector<32x16384xi32>
    %add3A_213 = arith.addi %add3A_204, %xor3A_212 : vector<32x16384xi32>
    %shift_left3A_214 = arith.constant 6 : i32
    %shift_left3A_215 = vector.broadcast %shift_left3A_214 : i32 to vector<32x16384xi32>
    %shift_left3A_216 = arith.shli %xor3A_212, %shift_left3A_215 : vector<32x16384xi32>
    %shift_right_logical3A_217 = arith.constant 26 : i32
    %shift_right_logical3A_218 = vector.broadcast %shift_right_logical3A_217 : i32 to vector<32x16384xi32>
    %shift_right_logical3A_219 = arith.shrui %xor3A_212, %shift_right_logical3A_218 : vector<32x16384xi32>
    %or3A_220 = arith.ori %shift_left3A_216, %shift_right_logical3A_219 : vector<32x16384xi32>
    %xor3A_221 = arith.xori %add3A_213, %or3A_220 : vector<32x16384xi32>
    %add3A_222 = arith.constant 466689008 : i32
    %add3A_223 = vector.broadcast %add3A_222 : i32 to vector<32x16384xi32>
    %add3A_224 = arith.addi %add3A_213, %add3A_223 : vector<32x16384xi32>
    %add3A_225 = arith.constant 0 : i32
    %add3A_226 = vector.broadcast %add3A_225 : i32 to vector<32x16384xi32>
    %add3A_227 = arith.addi %xor3A_221, %add3A_226 : vector<32x16384xi32>
    %add3A_228 = arith.constant 5 : i32
    %add3A_229 = vector.broadcast %add3A_228 : i32 to vector<32x16384xi32>
    %add3A_230 = arith.addi %add3A_227, %add3A_229 : vector<32x16384xi32>
    %xor3A_231 = arith.xori %add3A_224, %add3A_230 : vector<32x16384xi32>
    %shift_right_logical3A_232 = arith.constant 9 : i32
    %shift_right_logical3A_233 = vector.broadcast %shift_right_logical3A_232 : i32 to vector<32x16384xi32>
    %shift_right_logical3A_234 = arith.shrui %xor3A_231, %shift_right_logical3A_233 : vector<32x16384xi32>
    %or3A_235 = arith.constant 1065353216 : i32
    %or3A_236 = vector.broadcast %or3A_235 : i32 to vector<32x16384xi32>
    %or3A_237 = arith.ori %shift_right_logical3A_234, %or3A_236 : vector<32x16384xi32>
    %bitcast_convert_type3A = tpu.bitcast %or3A_237 : vector<32x16384xi32> -> vector<32x16384xf32>
    %sub3A = arith.constant 1.000000e+00 : f32
    %sub3A_238 = vector.broadcast %sub3A : f32 to vector<32x16384xf32>
    %sub3A_239 = arith.subf %bitcast_convert_type3A, %sub3A_238 : vector<32x16384xf32>
    %sub3A_240 = arith.constant 1.000000e+00 : f32
    %sub3A_241 = arith.constant 1.17549435E-38 : f32
    %sub3A_242 = arith.subf %sub3A_240, %sub3A_241 : f32
    %mul3A_243 = vector.broadcast %sub3A_242 : f32 to vector<32x16384xf32>
    %mul3A_244 = arith.mulf %sub3A_239, %mul3A_243 : vector<32x16384xf32>
    %add3A_245 = arith.constant 1.17549435E-38 : f32
    %add3A_246 = vector.broadcast %add3A_245 : f32 to vector<32x16384xf32>
    %add3A_247 = arith.addf %mul3A_244, %add3A_246 : vector<32x16384xf32>
    %max3A = arith.constant 1.17549435E-38 : f32
    %max3A_248 = vector.broadcast %max3A : f32 to vector<32x16384xf32>
    %max3A_249 = arith.maximumf %max3A_248, %add3A_247 : vector<32x16384xf32>
    %log3A = math.log %max3A_249 : vector<32x16384xf32>
    %neg3A = arith.constant 0.000000e+00 : f32
    %neg3A_250 = vector.broadcast %neg3A : f32 to vector<32x16384xf32>
    %neg3A_251 = arith.subf %neg3A_250, %log3A : vector<32x16384xf32>
    %log3A_252 = math.log %neg3A_251 : vector<32x16384xf32>
    %neg3A_253 = arith.constant 0.000000e+00 : f32
    %neg3A_254 = vector.broadcast %neg3A_253 : f32 to vector<32x16384xf32>
    %neg3A_255 = arith.subf %neg3A_254, %log3A_252 : vector<32x16384xf32>
    %get3A = arith.constant 0 : index
    %get3A_256 = arith.constant 0 : index
    %get3A_257 = vector.load %arg0[%get3A, %get3A_256] : memref<32x16384xf32, #tpu.memory_space<vmem>>, vector<32x16384xf32>
    %log3A_258 = math.log %get3A_257 : vector<32x16384xf32>
    %add3A_259 = arith.addf %neg3A_255, %log3A_258 : vector<32x16384xf32>
    %lt3A = arith.constant 27 : i32
    %lt3A_260 = vector.broadcast %lt3A : i32 to vector<32x16384xi32>
    %lt3A_261 = arith.cmpi slt, %iota3A, %lt3A_260 : vector<32x16384xi32>
    %jit3A = arith.constant 0xFF800000 : f32
    %broadcast_in_dim3A_262 = vector.broadcast %jit3A : f32 to vector<32x16384xf32>
    %select_n3A = arith.select %lt3A_261, %add3A_259, %broadcast_in_dim3A_262 : vector<32x16384xi1>, vector<32x16384xf32>
    %slice3A = vector.extract_strided_slice %select_n3A {offsets = [0, 0], sizes = [16, 16384], strides = [1, 1]} : vector<32x16384xf32> to vector<16x16384xf32>
    %slice3A_263 = vector.extract_strided_slice %select_n3A {offsets = [16, 0], sizes = [16, 16384], strides = [1, 1]} : vector<32x16384xf32> to vector<16x16384xf32>
    %slice3A_264 = vector.extract_strided_slice %iota3A {offsets = [0, 0], sizes = [16, 16384], strides = [1, 1]} : vector<32x16384xi32> to vector<16x16384xi32>
    %slice3A_265 = vector.extract_strided_slice %iota3A {offsets = [16, 0], sizes = [16, 16384], strides = [1, 1]} : vector<32x16384xi32> to vector<16x16384xi32>
    %gt3A = arith.cmpf ogt, %slice3A_263, %slice3A : vector<16x16384xf32>
    %eq3A = arith.cmpf oeq, %slice3A_263, %slice3A : vector<16x16384xf32>
    %lt3A_266 = arith.cmpi slt, %slice3A_265, %slice3A_264 : vector<16x16384xi32>
    %and3A = arith.andi %eq3A, %lt3A_266 : vector<16x16384xi1>
    %or3A_267 = arith.ori %gt3A, %and3A : vector<16x16384xi1>
    %select_n3A_268 = arith.select %or3A_267, %slice3A_263, %slice3A : vector<16x16384xi1>, vector<16x16384xf32>
    %select_n3A_269 = arith.select %or3A_267, %slice3A_265, %slice3A_264 : vector<16x16384xi1>, vector<16x16384xi32>
    %slice3A_270 = vector.extract_strided_slice %select_n3A_268 {offsets = [0, 0], sizes = [8, 16384], strides = [1, 1]} : vector<16x16384xf32> to vector<8x16384xf32>
    %slice3A_271 = vector.extract_strided_slice %select_n3A_268 {offsets = [8, 0], sizes = [8, 16384], strides = [1, 1]} : vector<16x16384xf32> to vector<8x16384xf32>
    %slice3A_272 = vector.extract_strided_slice %select_n3A_269 {offsets = [0, 0], sizes = [8, 16384], strides = [1, 1]} : vector<16x16384xi32> to vector<8x16384xi32>
    %slice3A_273 = vector.extract_strided_slice %select_n3A_269 {offsets = [8, 0], sizes = [8, 16384], strides = [1, 1]} : vector<16x16384xi32> to vector<8x16384xi32>
    %gt3A_274 = arith.cmpf ogt, %slice3A_271, %slice3A_270 : vector<8x16384xf32>
    %eq3A_275 = arith.cmpf oeq, %slice3A_271, %slice3A_270 : vector<8x16384xf32>
    %lt3A_276 = arith.cmpi slt, %slice3A_273, %slice3A_272 : vector<8x16384xi32>
    %and3A_277 = arith.andi %eq3A_275, %lt3A_276 : vector<8x16384xi1>
    %or3A_278 = arith.ori %gt3A_274, %and3A_277 : vector<8x16384xi1>
    %select_n3A_279 = arith.select %or3A_278, %slice3A_271, %slice3A_270 : vector<8x16384xi1>, vector<8x16384xf32>
    %select_n3A_280 = arith.select %or3A_278, %slice3A_273, %slice3A_272 : vector<8x16384xi1>, vector<8x16384xi32>
    %slice3A_281 = vector.extract_strided_slice %select_n3A_279 {offsets = [0, 0], sizes = [4, 16384], strides = [1, 1]} : vector<8x16384xf32> to vector<4x16384xf32>
    %slice3A_282 = vector.extract_strided_slice %select_n3A_279 {offsets = [4, 0], sizes = [4, 16384], strides = [1, 1]} : vector<8x16384xf32> to vector<4x16384xf32>
    %slice3A_283 = vector.extract_strided_slice %select_n3A_280 {offsets = [0, 0], sizes = [4, 16384], strides = [1, 1]} : vector<8x16384xi32> to vector<4x16384xi32>
    %slice3A_284 = vector.extract_strided_slice %select_n3A_280 {offsets = [4, 0], sizes = [4, 16384], strides = [1, 1]} : vector<8x16384xi32> to vector<4x16384xi32>
    %gt3A_285 = arith.cmpf ogt, %slice3A_282, %slice3A_281 : vector<4x16384xf32>
    %eq3A_286 = arith.cmpf oeq, %slice3A_282, %slice3A_281 : vector<4x16384xf32>
    %lt3A_287 = arith.cmpi slt, %slice3A_284, %slice3A_283 : vector<4x16384xi32>
    %and3A_288 = arith.andi %eq3A_286, %lt3A_287 : vector<4x16384xi1>
    %or3A_289 = arith.ori %gt3A_285, %and3A_288 : vector<4x16384xi1>
    %select_n3A_290 = arith.select %or3A_289, %slice3A_282, %slice3A_281 : vector<4x16384xi1>, vector<4x16384xf32>
    %select_n3A_291 = arith.select %or3A_289, %slice3A_284, %slice3A_283 : vector<4x16384xi1>, vector<4x16384xi32>
    %slice3A_292 = vector.extract_strided_slice %select_n3A_290 {offsets = [0, 0], sizes = [2, 16384], strides = [1, 1]} : vector<4x16384xf32> to vector<2x16384xf32>
    %slice3A_293 = vector.extract_strided_slice %select_n3A_290 {offsets = [2, 0], sizes = [2, 16384], strides = [1, 1]} : vector<4x16384xf32> to vector<2x16384xf32>
    %slice3A_294 = vector.extract_strided_slice %select_n3A_291 {offsets = [0, 0], sizes = [2, 16384], strides = [1, 1]} : vector<4x16384xi32> to vector<2x16384xi32>
    %slice3A_295 = vector.extract_strided_slice %select_n3A_291 {offsets = [2, 0], sizes = [2, 16384], strides = [1, 1]} : vector<4x16384xi32> to vector<2x16384xi32>
    %gt3A_296 = arith.cmpf ogt, %slice3A_293, %slice3A_292 : vector<2x16384xf32>
    %eq3A_297 = arith.cmpf oeq, %slice3A_293, %slice3A_292 : vector<2x16384xf32>
    %lt3A_298 = arith.cmpi slt, %slice3A_295, %slice3A_294 : vector<2x16384xi32>
    %and3A_299 = arith.andi %eq3A_297, %lt3A_298 : vector<2x16384xi1>
    %or3A_300 = arith.ori %gt3A_296, %and3A_299 : vector<2x16384xi1>
    %select_n3A_301 = arith.select %or3A_300, %slice3A_293, %slice3A_292 : vector<2x16384xi1>, vector<2x16384xf32>
    %select_n3A_302 = arith.select %or3A_300, %slice3A_295, %slice3A_294 : vector<2x16384xi1>, vector<2x16384xi32>
    %slice3A_303 = vector.extract_strided_slice %select_n3A_301 {offsets = [0, 0], sizes = [1, 16384], strides = [1, 1]} : vector<2x16384xf32> to vector<1x16384xf32>
    %slice3A_304 = vector.extract_strided_slice %select_n3A_301 {offsets = [1, 0], sizes = [1, 16384], strides = [1, 1]} : vector<2x16384xf32> to vector<1x16384xf32>
    %slice3A_305 = vector.extract_strided_slice %select_n3A_302 {offsets = [0, 0], sizes = [1, 16384], strides = [1, 1]} : vector<2x16384xi32> to vector<1x16384xi32>
    %slice3A_306 = vector.extract_strided_slice %select_n3A_302 {offsets = [1, 0], sizes = [1, 16384], strides = [1, 1]} : vector<2x16384xi32> to vector<1x16384xi32>
    %gt3A_307 = arith.cmpf ogt, %slice3A_304, %slice3A_303 : vector<1x16384xf32>
    %eq3A_308 = arith.cmpf oeq, %slice3A_304, %slice3A_303 : vector<1x16384xf32>
    %lt3A_309 = arith.cmpi slt, %slice3A_306, %slice3A_305 : vector<1x16384xi32>
    %and3A_310 = arith.andi %eq3A_308, %lt3A_309 : vector<1x16384xi1>
    %or3A_311 = arith.ori %gt3A_307, %and3A_310 : vector<1x16384xi1>
    %select_n3A_312 = arith.select %or3A_311, %slice3A_306, %slice3A_305 : vector<1x16384xi1>, vector<1x16384xi32>
    %swap3A = arith.constant 0 : index
    %swap3A_313 = arith.constant 0 : index
    %swap3A_314 = vector.load %arg1[%swap3A, %swap3A_313] : memref<1x16384xi32, #tpu.memory_space<vmem>>, vector<1x16384xi32>
    tpu.vector_store %arg1[%swap3A, %swap3A_313], %select_n3A_312 {strides = array<i32>} : memref<1x16384xi32, #tpu.memory_space<vmem>>, vector<1x16384xi32>,
    return
  }
}

</mosaic_0001>

<sc_bundles>
// kernel: kernel.4.cloned.1.call-start
scs
__scs_entry_jumppad:
0x0: {  	(pc) =	sbr.rel $0x88, $3  }
0x1: {  	(tag) =	ssettag $0x0;
	lr =	simm.s32 $0x1  }
0x2: {  	[smem:$0x3F9F] =	sst lr;
	_ =	strace $0xD0000000  }
0x3: {  	_ = 	snop  }
0x4: {  	_ = 	snop  }
0x5: {  	_ = 	snop  }
0x6: {  	_ = 	snop  }
0x7: {  	_ = 	snop  }
__scs_overlays_trampoline_lowered:
0x8: {  	[smem:$0x3FAE] =	sst s0  }
0x9: {  	[smem:$0x3FAF] =	sst s1  }
0xa: {  	[smem:$0x3FB0] =	sst s2  }
0xb: {  	[smem:$0x3FB1] =	sst s3  }
0xc: {  	[smem:$0x3FB2] =	sst s4  }
0xd: {  	[smem:$0x3FB3] =	sst s5  }
0xe: {  	[smem:$0x3FB4] =	sst s6  }
0xf: {  	[smem:$0x3FB5] =	sst s7  }
0x10: {  	[smem:$0x3FB6] =	sst s8  }
0x11: {  	[smem:$0x3FB7] =	sst s9;
	s0 =	simm.s32 @!p0 $0x0  }
0x12: {  	s1 =	sld [smem:$0x3F9D];
	s0 =	simm.s32 @p0 $0x1  }
0x13: {  	[smem:$0x3FB8] =	sst s0;
	s0 =	simm.s32 @!p1 $0x0  }
0x14: {  	s2 =	sld [smem:$0x3F9C];
	s0 =	simm.s32 @p1 $0x1  }
0x15: {  	[smem:$0x3FB9] =	sst s0;
	s0 =	simm.s32 @!p2 $0x0  }
0x16: {  	s3 =	sld [smem:$0x3FDB];
	s0 =	simm.s32 @p2 $0x1  }
0x17: {  	s4 =	simm.s32 $0x1BF5;
	[smem:$0x3FBB] =	sst s0  }
0x18: {  	s0 =	sld [smem:$0x3F9E];
	_ =	swait.ge [sflag:s4], $0x0  }
0x19: {  	s7 =	sld [smem:$0x3F9F]  }
0x1a: {  	s8 =	sadd.s32 $0xFFFFE003, lr  }
0x1b: {  	s9 =	sadd.s32 $0xFFFFFEF7, lr;
	s5 =	simm.s32 $0xFFFFFFFF;
	p2 =	slt.u32 s8, $0xFFFFF086  }
0x1c: {  	p1 =	slt.u32 s9, $0xF7A;
	s5 =	simm.s32 @!p2 $0x0  }
0x1d: {  	s5 =	simm.s32 @p1 $0x1;
	p0 =	seq.s32 s7, s2  }
0x1e: {  	s7 =	smul.u32 @!p0 $0xF7A, s2;
	p2 =	seq.s32 @!p0 s5, $0x0  }
0x1f: {  	s9 =	smul.u32 $0xF7A, s1;
	s8 =	simm.s32 @!p0 $0x1BF5;
	p2 =	por !p2, p0  }
0x20: {  	[sflag:s8] =	ssyncset.s32 @!p0 $0xFFFFF086;
	s6 =	sadd.s32 @!p0 s3, s7;
	s7 =	simm.s32 @!p0 $0x108  }
0x21: {  	s3 =	sadd.s32 s3, s9;
	s6 =	sadd.s32 @!p0 $0x88, s6;
	s7 =	simm.s32 @p2 $0x1082  }
0x22: {  	[simem:s7], [sflag:s8] =	dma.local @!p0 [hbm:s6], $0xF7A  }
0x23: {  	s9 =	sor.u32 $0xD0000000, s2;
	s6 =	simm.s32 $0x108;
	_ =	swait.ge @!p0 [sflag:s8], $0x0  }
0x24: {  	s3 =	sadd.s32 $0x88, s3;
	s6 =	simm.s32 @!p1 $0x1082;
	[sflag:s4] =	ssyncset.s32 $0xFFFFF086  }
0x25: {  	[simem:s6], [sflag:s4] =	dma.local [hbm:s3], $0xF7A  }
0x26: {  	[smem:$0x3F9F] =	sst s1;
	(tag) =	ssettag s2;
	_ =	strace s9  }
0x27: {  	s1 =	sld [smem:$0x3FAF]  }
0x28: {  	s2 =	sld [smem:$0x3FB0]  }
0x29: {  	s4 =	sld [smem:$0x3FB2]  }
0x2a: {  	p0 =	seq.s32 s5, $0x0;
	s5 =	sld [smem:$0x3FB3]  }
0x2b: {  	s6 =	sld [smem:$0x3FB4]  }
0x2c: {  	s7 =	sld [smem:$0x3FB5]  }
0x2d: {  	s3 =	simm.s32 $0x108;
	s8 =	sld [smem:$0x3FB6]  }
0x2e: {  	s3 =	simm.s32 @!p0 $0x1082;
	s9 =	sld [smem:$0x3FB7]  }
0x2f: {  	lr =	sadd.s32 s0, s3;
	s0 =	sld [smem:$0x3FAE]  }
0x30: {  	s3 =	sld [smem:$0x3FB1]  }
0x31: {  	[smem:$0x3FBA] =	sst s10  }
0x32: {  	s10 =	sld [smem:$0x3FB8];
	_ =	sdelay $0x3  }
0x33: {  	p0 =	seq.s32 s10, $0x1;
	s10 =	sld [smem:$0x3FBA];
	_ =	sdelay $0x3  }
0x34: {  	[smem:$0x3FBA] =	sst s10  }
0x35: {  	s10 =	sld [smem:$0x3FB9];
	_ =	sdelay $0x3  }
0x36: {  	p1 =	seq.s32 s10, $0x1;
	s10 =	sld [smem:$0x3FBA];
	_ =	sdelay $0x3  }
0x37: {  	[smem:$0x3FBA] =	sst s10  }
0x38: {  	s10 =	sld [smem:$0x3FBB]  }
0x39: {  	_ = 	snop;
	(pc) =	sbr.ind lr, $3  }
0x3a: {  	_ = 	snop  }
0x3b: {  	_ = 	snop  }
0x3c: {  	p2 =	seq.s32 s10, $0x1;
	s10 =	sld [smem:$0x3FBA]  }
0x3d: {  	_ =	shalt  }
0x3e: {  	_ =	shalt  }
0x3f: {  	_ =	shalt  }
0x40: {  	_ =	shalt  }
0x41: {  	_ =	shalt  }
0x42: {  	_ =	shalt  }
0x43: {  	_ =	shalt  }
0x44: {  	_ =	shalt  }
0x45: {  	_ =	shalt  }
0x46: {  	_ =	shalt  }
0x47: {  	_ =	shalt  }
0x48: {  	_ =	shalt  }
0x49: {  	_ =	shalt  }
0x4a: {  	_ =	shalt  }
0x4b: {  	_ =	shalt  }
0x4c: {  	_ =	shalt  }
0x4d: {  	_ =	shalt  }
0x4e: {  	_ =	shalt  }
0x4f: {  	_ =	shalt  }
0x50: {  	_ =	shalt  }
0x51: {  	_ =	shalt  }
0x52: {  	_ =	shalt  }
0x53: {  	_ =	shalt  }
0x54: {  	_ =	shalt  }
0x55: {  	_ =	shalt  }
0x56: {  	_ =	shalt  }
0x57: {  	_ =	shalt  }
0x58: {  	_ =	shalt  }
0x59: {  	_ =	shalt  }
0x5a: {  	_ =	shalt  }
0x5b: {  	_ =	shalt  }
0x5c: {  	_ =	shalt  }
0x5d: {  	_ =	shalt  }
0x5e: {  	_ =	shalt  }
0x5f: {  	_ =	shalt  }
0x60: {  	_ =	shalt  }
0x61: {  	_ =	shalt  }
0x62: {  	_ =	shalt  }
0x63: {  	_ =	shalt  }
0x64: {  	_ =	shalt  }
0x65: {  	_ =	shalt  }
0x66: {  	_ =	shalt  }
0x67: {  	_ =	shalt  }
0x68: {  	_ =	shalt  }
0x69: {  	_ =	shalt  }
0x6a: {  	_ =	shalt  }
0x6b: {  	_ =	shalt  }
0x6c: {  	_ =	shalt  }
0x6d: {  	_ =	shalt  }
0x6e: {  	_ =	shalt  }
0x6f: {  	_ =	shalt  }
0x70: {  	_ =	shalt  }
0x71: {  	_ =	shalt  }
0x72: {  	_ =	shalt  }
0x73: {  	_ =	shalt  }
0x74: {  	_ =	shalt  }
0x75: {  	_ =	shalt  }
0x76: {  	_ =	shalt  }
0x77: {  	_ =	shalt  }
0x78: {  	_ =	shalt  }
0x79: {  	_ =	shalt  }
0x7a: {  	_ =	shalt  }
0x7b: {  	_ =	shalt  }
0x7c: {  	_ =	shalt  }
0x7d: {  	_ =	shalt  }
0x7e: {  	_ =	shalt  }
0x7f: {  	_ =	shalt  }
0x80: {  	_ =	shalt  }
0x81: {  	_ =	shalt  }
0x82: {  	_ =	shalt  }
0x83: {  	_ =	shalt  }
0x84: {  	_ =	shalt  }
0x85: {  	_ =	shalt  }
0x86: {  	_ =	shalt  }
0x87: {  	_ =	shalt  }
.Lfunc_end0:
.L_simem_size_0:
called_computation_lowered:
.L_overlay_start_0:
0x88: {  	s2 =	sld [smem:$0x3FD9]  }
0x89: {  	s3 =	sld [smem:$0x3FFE];
	_ =	sdelay $0x1  }
0x8a: {  	s1 =	srdreg.scid  }
0x8b: {  	s0 =	sand.u32 $0x1, s1  }
0x8c: {  	s17 =	sshll.u32 s0, $0xA;
	s2 =	sadd.s32 s3, s2  }
0x8d: {  	s2 =	sadd.s32 s2, s17  }
0x8e: {  	[smem:$0x3FC6] =	sst s2  }
0x8f: {  	_ = 	snop  }
0x90: {  	s2 =	sld [smem:$0x3FC9]  }
0x91: {  	s18 =	sld [smem:$0x3FD0];
	(tm) =	ssettm $0x1  }
0x92: {  	s4 =	sld [smem:$0x3FFB];
	_ =	sdelay $0x3  }
0x93: {  	_ =	strace s4  }
0x94: {  	s4 =	sld [smem:$0x3FFC];
	_ =	sdelay $0x3  }
0x95: {  	_ =	strace s4  }
0x96: {  	s4 =	sld [smem:$0x3FFD];
	_ =	sdelay $0x3  }
0x97: {  	_ =	strace s4  }
0x98: {  	_ =	strace $0x8FFFFFFF  }
0x99: {  	s19 =	sld [smem:$0x3FDB];
	_ =	sdelay $0x1  }
0x9a: {  	s5 =	simm.s32 $_scs_section_size  }
0x9b: {  	s6 =	simm.s32 $_size__tile_overlayer_lowered;
	s7 =	simm.s32 $_tile_overlayer_lowered  }
0x9c: {  	s22 =	simm.s32 $0x1BFF;
	s21 =	sshll.u32 s7, $0x1;
	s4 =	sadd.s32 s5, s19  }
0x9d: {  	s8 =	simm.s32 $0x0;
	s20 =	sshll.u32 s6, $0x1;
	s6 =	sadd.s32 s21, s4  }
0x9e: {  	[timem:s8], [sflag:s22] =	dma.local [hbm:s6], s20  }
0x9f: {  	_ =	swait.ge [sflag:s22], s20  }
0xa0: {  	s5 =	ssub.s32 $0x0, s20;
	[sflag:s22] =	ssyncset.done $0x0  }
0xa1: {  	[sflag:s22] =	ssyncadd.s32 s5;
	_ =	sdelay $0x1  }
0xa2: {  	s23 =	simm.s32 $0x1B8B  }
0xa3: {  	_ =	swait.ge [sflag:s23], $0x1  }
0xa4: {  	[sflag:s23] =	ssyncset.done $0x0  }
0xa5: {  	s25 =	simm.s32 $0x1B8E;
	s24 =	sld [smem:$0x3FFE];
	[sflag:s23] =	ssyncadd.s32 $0xFFFFFFFF  }
0xa6: {  	s26 =	simm.s32 $execute0_lowered;
	[smem:$0x3FD2] =	sst s25  }
0xa7: {  	s6 =	sshll.u32 s26, $0x1;
	_ =	strace $0x80000046;
	[dreg:$0x1] =	wrdreg $0xFFFFFFFF  }
0xa8: {  	s28 =	simm.s32 $_size_execute0_lowered;
	s4 =	sadd.s32 s4, s6;
	[dreg:$0x0] =	wrdreg $0x0  }
0xa9: {  	s6 =	sshll.u32 s28, $0x1;
	[dreg:$0x2] =	wrdreg s4  }
0xaa: {  	[dreg:$0x3] =	wrdreg s6  }
0xab: {  	[dreg:$0x4] =	wrdreg $0xC0  }
0xac: {  	_ =	task [dreg:s8], $0x5FFFF  }
0xad: {  	[dreg:$0x1] =	wrdreg $0xFFFFFFFF  }
0xae: {  	[dreg:$0x0] =	wrdreg $0x60  }
0xaf: {  	[dreg:$0x2] =	wrdreg s18  }
0xb0: {  	[dreg:$0x3] =	wrdreg s2  }
0xb1: {  	[dreg:$0x4] =	wrdreg s24  }
0xb2: {  	[dreg:$0x5] =	wrdreg $0x9  }
0xb3: {  	_ =	task.clear_ibuf [dreg:s8], $0x6FFFF;
	_ =	strace $0x90000046  }
0xb4: {  	s29 =	simm.s32 $0x9;
	_ =	strace $0x80000048  }
0xb5: {  	_ =	swait.ge [sflag:s29], $0x1  }
0xb6: {  	[sflag:s29] =	ssyncadd.s32 $0xFFFFFFFF  }
0xb7: {  	_ =	strace $0x90000048  }
0xb8: {  	_ =	sfence  }
0xb9: {  	s30 =	sld [smem:$0x0];
	_ =	sdelay $0x2  }
0xba: {  	s31 =	sshll.u32 s1, $0xD;
	s1 =	sshrl.u32 s1, $0x2  }
0xbb: {  	s3 =	sand.u32 $0x4000, s31;
	s1 =	sadd.s32 s1, s30  }
0xbc: {  	s0 =	sor.u32 s3, s0;
	s1 =	sshll.u32 s1, $0x11  }
0xbd: {  	s0 =	sor.u32 s1, s0  }
0xbe: {  	s0 =	sadd.s32 $0x8F2B, s0  }
0xbf: {  	[sflag:s0] =	ssyncadd.remote.s32 $0x1  }
0xc0: {  	_ =	sfence.sel $0xFFFF  }
0xc1: {  	[dreg:$0x0] =	wrdreg $0xFFFFFFFF;
	(pc) =	sbr.abs _section_cstart, $3  }
0xc2: {  	[dreg:$0x1] =	wrdreg $0xFFFFFFFF  }
0xc3: {  	_ =	task.clear_ibuf [dreg:s8], $0x2FFFF;
	_ =	strace $0x9FFFFFFF  }
0xc4: {  	(tm) =	ssettm $0x7FFFFFFF  }
0xc5: {  	_ =	shalt  }
tec
execute0_lowered:
.L_overlay_start_1:
0x0: {  	(tag) =	ssettag $0x1  }
0x1: {  	s1 =	rddreg [dreg:$0x0]  }
0x2: {  	s4 =	rddreg [dreg:$0x1]  }
0x3: {  	s5 =	rddreg [dreg:$0x2]  }
0x4: {  	s0 =	rddreg [dreg:$0x3];
	s3 =	simm.s32 $0x0;
	s6 =	srdreg.scid  }
0x5: {  	s2 =	stileid.u32;
	s9 =	simm.s32 $0x20000;
	s10 =	simm.s32 $0x1200  }
0x6: {  	s11 =	simm.s32 $0x2;
	s12 =	simm.s32 $0x0;
	s6 =	sand.u32 $0x1, s6  }
0x7: {  	[smem:$0x7FF] =	sst s3;
	s7 =	sshll.u32 s2, $0xA;
	s8 =	sshll.u32 s6, $0x9  }
0x8: {  	s6 =	ssub.s32 $0x2, s6;
	_ =	strace $0x80000047;
	s7 =	sor.u32 s8, s7  }
0x9: {  	s31 =	sshrl.u32 s6, $0x1;
	s5 =	sadd.s32 s7, s5;
	s7 =	sshrl.u32 s7, $0x3  }
0xa: {  	s8 =	simm.s32 $0x1000;
	s6 =	ssub.s32 s6, s31;
	s4 =	sadd.s32 s4, s7  }
0xb: {  	s5 =	sadd.s32 $0x600, s5;
	s6 =	smax.u32 s6, $0x1;
	s7 =	simm.s32 $0x1  }
.LBB2_1:
0xc: {  	[tilespmem:s3], [sflag:$0x1] =	stream.linear.gather [hbm4b:s1+s3], $0x1000, $0x38;
	[tilespmem:$0x5200] =	vst v63  }
0xd: {  	_ = 	snop  }
0xe: {  	[tilespmem:s8], [sflag:$0x1] =	stream.linear.gather [hbm4b:s4+s3], $0x200, $0x38;
	[tilespmem:$0x5200] =	vst v63  }
0xf: {  	_ =	swait.ge [sflag:s7], $0x1000  }
0x10: {  	[sflag:s7] =	ssyncset.done $0x0  }
0x11: {  	[sflag:s7] =	ssyncadd.s32 $0xFFFFF000  }
0x12: {  	_ =	swait.ge [sflag:s7], $0x200  }
0x13: {  	[sflag:s7] =	ssyncset.done $0x0  }
0x14: {  	[sflag:s7] =	ssyncadd.s32 $0xFFFFFE00  }
0x15: {  	v0 =	vld [tilespmem:s8+$0x0];
	_ =	sdelay $0x7  }
0x16: {  	v1 =	vld.idx.msk [tilespmem:v0+s3+$0x0], $0xffff  }
0x17: {  	v2 =	vadd.s32 $0x80, v0;
	_ =	sdelay $0x1  }
0x18: {  	s13 =	sand.u32 $0x70, s3;
	s14 =	sand.u32 $0xC00, s3  }
0x19: {  	s13 =	sor.u32 s13, s14  }
0x1a: {  	[tilespmem:s13+$0x1200] =	vst v1  }
0x1b: {  	v1 =	vld.idx.msk [tilespmem:v2+s3+$0x0], $0xffff  }
0x1c: {  	v2 =	vadd.s32 $0x100, v0;
	_ =	sdelay $0x3  }
0x1d: {  	[tilespmem:s13+$0x1280] =	vst v1  }
0x1e: {  	v1 =	vld.idx.msk [tilespmem:v2+s3+$0x0], $0xffff  }
0x1f: {  	v2 =	vadd.s32 $0x180, v0;
	_ =	sdelay $0x3  }
0x20: {  	[tilespmem:s13+$0x1300] =	vst v1  }
0x21: {  	v1 =	vld.idx.msk [tilespmem:v2+s3+$0x0], $0xffff  }
0x22: {  	v2 =	vadd.s32 $0x200, v0;
	_ =	sdelay $0x3  }
0x23: {  	[tilespmem:s13+$0x1380] =	vst v1  }
0x24: {  	v1 =	vld.idx.msk [tilespmem:v2+s3+$0x0], $0xffff  }
0x25: {  	v2 =	vadd.s32 $0x280, v0;
	_ =	sdelay $0x3  }
0x26: {  	[tilespmem:s13+$0x1400] =	vst v1  }
0x27: {  	v1 =	vld.idx.msk [tilespmem:v2+s3+$0x0], $0xffff  }
0x28: {  	v2 =	vadd.s32 $0x300, v0;
	_ =	sdelay $0x3  }
0x29: {  	[tilespmem:s13+$0x1480] =	vst v1  }
0x2a: {  	v1 =	vld.idx.msk [tilespmem:v2+s3+$0x0], $0xffff  }
0x2b: {  	v2 =	vadd.s32 $0x380, v0;
	_ =	sdelay $0x3  }
0x2c: {  	[tilespmem:s13+$0x1500] =	vst v1  }
0x2d: {  	v1 =	vld.idx.msk [tilespmem:v2+s3+$0x0], $0xffff  }
0x2e: {  	v2 =	vadd.s32 $0x400, v0;
	_ =	sdelay $0x1  }
0x2f: {  	s31 =	sor.u32 s3, s3  }
0x30: {  	s14 =	sor.u32 $0x380, s31  }
0x31: {  	[tilespmem:s14+$0x1200] =	vst v1  }
0x32: {  	v1 =	vld.idx.msk [tilespmem:v2+s3+$0x0], $0xffff  }
0x33: {  	v2 =	vadd.s32 $0x480, v0;
	_ =	sdelay $0x3  }
0x34: {  	[tilespmem:s13+$0x2200] =	vst v1  }
0x35: {  	v1 =	vld.idx.msk [tilespmem:v2+s3+$0x0], $0xffff  }
0x36: {  	v2 =	vadd.s32 $0x500, v0;
	_ =	sdelay $0x3  }
0x37: {  	[tilespmem:s13+$0x2280] =	vst v1  }
0x38: {  	v1 =	vld.idx.msk [tilespmem:v2+s3+$0x0], $0xffff  }
0x39: {  	v2 =	vadd.s32 $0x580, v0;
	_ =	sdelay $0x3  }
0x3a: {  	[tilespmem:s13+$0x2300] =	vst v1  }
0x3b: {  	v1 =	vld.idx.msk [tilespmem:v2+s3+$0x0], $0xffff  }
0x3c: {  	v2 =	vadd.s32 $0x600, v0;
	_ =	sdelay $0x3  }
0x3d: {  	[tilespmem:s13+$0x2380] =	vst v1  }
0x3e: {  	v1 =	vld.idx.msk [tilespmem:v2+s3+$0x0], $0xffff  }
0x3f: {  	v2 =	vadd.s32 $0x680, v0;
	_ =	sdelay $0x3  }
0x40: {  	[tilespmem:s13+$0x2400] =	vst v1  }
0x41: {  	v1 =	vld.idx.msk [tilespmem:v2+s3+$0x0], $0xffff  }
0x42: {  	v2 =	vadd.s32 $0x700, v0;
	_ =	sdelay $0x3  }
0x43: {  	[tilespmem:s13+$0x2480] =	vst v1  }
0x44: {  	v1 =	vld.idx.msk [tilespmem:v2+s3+$0x0], $0xffff  }
0x45: {  	v2 =	vadd.s32 $0x780, v0;
	_ =	sdelay $0x3  }
0x46: {  	[tilespmem:s13+$0x2500] =	vst v1  }
0x47: {  	v1 =	vld.idx.msk [tilespmem:v2+s3+$0x0], $0xffff  }
0x48: {  	v2 =	vadd.s32 $0x800, v0;
	_ =	sdelay $0x3  }
0x49: {  	[tilespmem:s13+$0x2580] =	vst v1  }
0x4a: {  	v1 =	vld.idx.msk [tilespmem:v2+s3+$0x0], $0xffff  }
0x4b: {  	v2 =	vadd.s32 $0x880, v0;
	_ =	sdelay $0x3  }
0x4c: {  	[tilespmem:s13+$0x3200] =	vst v1  }
0x4d: {  	v1 =	vld.idx.msk [tilespmem:v2+s3+$0x0], $0xffff  }
0x4e: {  	v2 =	vadd.s32 $0x900, v0;
	_ =	sdelay $0x3  }
0x4f: {  	[tilespmem:s13+$0x3280] =	vst v1  }
0x50: {  	v1 =	vld.idx.msk [tilespmem:v2+s3+$0x0], $0xffff  }
0x51: {  	v2 =	vadd.s32 $0x980, v0;
	_ =	sdelay $0x3  }
0x52: {  	[tilespmem:s13+$0x3300] =	vst v1  }
0x53: {  	v1 =	vld.idx.msk [tilespmem:v2+s3+$0x0], $0xffff  }
0x54: {  	v2 =	vadd.s32 $0xA00, v0;
	_ =	sdelay $0x3  }
0x55: {  	[tilespmem:s13+$0x3380] =	vst v1  }
0x56: {  	v1 =	vld.idx.msk [tilespmem:v2+s3+$0x0], $0xffff  }
0x57: {  	v2 =	vadd.s32 $0xA80, v0;
	_ =	sdelay $0x3  }
0x58: {  	[tilespmem:s13+$0x3400] =	vst v1  }
0x59: {  	v1 =	vld.idx.msk [tilespmem:v2+s3+$0x0], $0xffff  }
0x5a: {  	v2 =	vadd.s32 $0xB00, v0;
	_ =	sdelay $0x3  }
0x5b: {  	[tilespmem:s13+$0x3480] =	vst v1  }
0x5c: {  	v1 =	vld.idx.msk [tilespmem:v2+s3+$0x0], $0xffff  }
0x5d: {  	v2 =	vadd.s32 $0xB80, v0;
	_ =	sdelay $0x3  }
0x5e: {  	[tilespmem:s13+$0x3500] =	vst v1  }
0x5f: {  	v1 =	vld.idx.msk [tilespmem:v2+s3+$0x0], $0xffff  }
0x60: {  	v2 =	vadd.s32 $0xC00, v0;
	_ =	sdelay $0x3  }
0x61: {  	[tilespmem:s13+$0x3580] =	vst v1  }
0x62: {  	v1 =	vld.idx.msk [tilespmem:v2+s3+$0x0], $0xffff  }
0x63: {  	v2 =	vadd.s32 $0xC80, v0;
	_ =	sdelay $0x3  }
0x64: {  	[tilespmem:s13+$0x4200] =	vst v1  }
0x65: {  	v1 =	vld.idx.msk [tilespmem:v2+s3+$0x0], $0xffff  }
0x66: {  	v0 =	vadd.s32 $0xD00, v0;
	_ =	sdelay $0x3  }
0x67: {  	[tilespmem:s13+$0x4280] =	vst v1  }
0x68: {  	s15 =	simm.s32 $0x0;
	s16 =	simm.s32 $0x1000;
	s14 =	simm.s32 $0x10;
	v0 =	vld.idx.msk [tilespmem:v0+s3+$0x0], $0xffff  }
.LBB2_2:
0x69: {  	_ =	sdelay $0x3  }
0x6a: {  	p0 =	sne.s32 s14, $0x1F0;
	s15 =	sadd.s32 $0x80, s15;
	s16 =	sadd.s32 $0x10, s16;
	[tilespmem:s13+$0x4300] =	vst v0  }
0x6b: {  	s17 =	smov.u32 s14;
	s14 =	sadd.s32 $0x10, s14;
	v0 =	vld [tilespmem:s16+$0x0];
	_ =	sdelay $0x7  }
0x6c: {  	v1 =	vld.idx.msk [tilespmem:v0+s3+$0x0], $0xffff;
	_ =	sdelay $0x1  }
0x6d: {  	v2 =	vadd.s32 $0x80, v0;
	_ =	sdelay $0x1  }
0x6e: {  	s18 =	sand.u32 $0xC00, s15;
	s13 =	sand.u32 $0x70, s17  }
0x6f: {  	s13 =	sor.u32 s13, s18  }
0x70: {  	[tilespmem:s13+$0x1200] =	vst v1  }
0x71: {  	v1 =	vld.idx.msk [tilespmem:v2+s3+$0x0], $0xffff;
	_ =	sdelay $0x1  }
0x72: {  	v2 =	vadd.s32 $0x100, v0;
	_ =	sdelay $0x3  }
0x73: {  	[tilespmem:s13+$0x1280] =	vst v1  }
0x74: {  	v1 =	vld.idx.msk [tilespmem:v2+s3+$0x0], $0xffff;
	_ =	sdelay $0x1  }
0x75: {  	v2 =	vadd.s32 $0x180, v0;
	_ =	sdelay $0x3  }
0x76: {  	[tilespmem:s13+$0x1300] =	vst v1  }
0x77: {  	v1 =	vld.idx.msk [tilespmem:v2+s3+$0x0], $0xffff;
	_ =	sdelay $0x1  }
0x78: {  	v2 =	vadd.s32 $0x200, v0;
	_ =	sdelay $0x3  }
0x79: {  	[tilespmem:s13+$0x1380] =	vst v1  }
0x7a: {  	v1 =	vld.idx.msk [tilespmem:v2+s3+$0x0], $0xffff;
	_ =	sdelay $0x1  }
0x7b: {  	v2 =	vadd.s32 $0x280, v0;
	_ =	sdelay $0x3  }
0x7c: {  	[tilespmem:s13+$0x1400] =	vst v1  }
0x7d: {  	v1 =	vld.idx.msk [tilespmem:v2+s3+$0x0], $0xffff;
	_ =	sdelay $0x1  }
0x7e: {  	v2 =	vadd.s32 $0x300, v0;
	_ =	sdelay $0x3  }
0x7f: {  	[tilespmem:s13+$0x1480] =	vst v1  }
0x80: {  	v1 =	vld.idx.msk [tilespmem:v2+s3+$0x0], $0xffff;
	_ =	sdelay $0x1  }
0x81: {  	v2 =	vadd.s32 $0x380, v0;
	_ =	sdelay $0x3  }
0x82: {  	[tilespmem:s13+$0x1500] =	vst v1  }
0x83: {  	v1 =	vld.idx.msk [tilespmem:v2+s3+$0x0], $0xffff;
	_ =	sdelay $0x1  }
0x84: {  	v2 =	vadd.s32 $0x400, v0;
	_ =	sdelay $0x1  }
0x85: {  	s17 =	sor.u32 s15, s17  }
0x86: {  	s17 =	sor.u32 $0x380, s17  }
0x87: {  	[tilespmem:s17+$0x1200] =	vst v1  }
0x88: {  	v1 =	vld.idx.msk [tilespmem:v2+s3+$0x0], $0xffff;
	_ =	sdelay $0x1  }
0x89: {  	v2 =	vadd.s32 $0x480, v0;
	_ =	sdelay $0x3  }
0x8a: {  	[tilespmem:s13+$0x2200] =	vst v1  }
0x8b: {  	v1 =	vld.idx.msk [tilespmem:v2+s3+$0x0], $0xffff;
	_ =	sdelay $0x1  }
0x8c: {  	v2 =	vadd.s32 $0x500, v0;
	_ =	sdelay $0x3  }
0x8d: {  	[tilespmem:s13+$0x2280] =	vst v1  }
0x8e: {  	v1 =	vld.idx.msk [tilespmem:v2+s3+$0x0], $0xffff;
	_ =	sdelay $0x1  }
0x8f: {  	v2 =	vadd.s32 $0x580, v0;
	_ =	sdelay $0x3  }
0x90: {  	[tilespmem:s13+$0x2300] =	vst v1  }
0x91: {  	v1 =	vld.idx.msk [tilespmem:v2+s3+$0x0], $0xffff;
	_ =	sdelay $0x1  }
0x92: {  	v2 =	vadd.s32 $0x600, v0;
	_ =	sdelay $0x3  }
0x93: {  	[tilespmem:s13+$0x2380] =	vst v1  }
0x94: {  	v1 =	vld.idx.msk [tilespmem:v2+s3+$0x0], $0xffff;
	_ =	sdelay $0x1  }
0x95: {  	v2 =	vadd.s32 $0x680, v0;
	_ =	sdelay $0x3  }
0x96: {  	[tilespmem:s13+$0x2400] =	vst v1  }
0x97: {  	v1 =	vld.idx.msk [tilespmem:v2+s3+$0x0], $0xffff;
	_ =	sdelay $0x1  }
0x98: {  	v2 =	vadd.s32 $0x700, v0;
	_ =	sdelay $0x3  }
0x99: {  	[tilespmem:s13+$0x2480] =	vst v1  }
0x9a: {  	v1 =	vld.idx.msk [tilespmem:v2+s3+$0x0], $0xffff;
	_ =	sdelay $0x1  }
0x9b: {  	v2 =	vadd.s32 $0x780, v0;
	_ =	sdelay $0x3  }
0x9c: {  	[tilespmem:s13+$0x2500] =	vst v1  }
0x9d: {  	v1 =	vld.idx.msk [tilespmem:v2+s3+$0x0], $0xffff;
	_ =	sdelay $0x1  }
0x9e: {  	v2 =	vadd.s32 $0x800, v0;
	_ =	sdelay $0x3  }
0x9f: {  	[tilespmem:s13+$0x2580] =	vst v1  }
0xa0: {  	v1 =	vld.idx.msk [tilespmem:v2+s3+$0x0], $0xffff;
	_ =	sdelay $0x1  }
0xa1: {  	v2 =	vadd.s32 $0x880, v0;
	_ =	sdelay $0x3  }
0xa2: {  	[tilespmem:s13+$0x3200] =	vst v1  }
0xa3: {  	v1 =	vld.idx.msk [tilespmem:v2+s3+$0x0], $0xffff;
	_ =	sdelay $0x1  }
0xa4: {  	v2 =	vadd.s32 $0x900, v0;
	_ =	sdelay $0x3  }
0xa5: {  	[tilespmem:s13+$0x3280] =	vst v1  }
0xa6: {  	v1 =	vld.idx.msk [tilespmem:v2+s3+$0x0], $0xffff;
	_ =	sdelay $0x1  }
0xa7: {  	v2 =	vadd.s32 $0x980, v0;
	_ =	sdelay $0x3  }
0xa8: {  	[tilespmem:s13+$0x3300] =	vst v1  }
0xa9: {  	v1 =	vld.idx.msk [tilespmem:v2+s3+$0x0], $0xffff;
	_ =	sdelay $0x1  }
0xaa: {  	v2 =	vadd.s32 $0xA00, v0;
	_ =	sdelay $0x3  }
0xab: {  	[tilespmem:s13+$0x3380] =	vst v1  }
0xac: {  	v1 =	vld.idx.msk [tilespmem:v2+s3+$0x0], $0xffff;
	_ =	sdelay $0x1  }
0xad: {  	v2 =	vadd.s32 $0xA80, v0;
	_ =	sdelay $0x3  }
0xae: {  	[tilespmem:s13+$0x3400] =	vst v1  }
0xaf: {  	v1 =	vld.idx.msk [tilespmem:v2+s3+$0x0], $0xffff;
	_ =	sdelay $0x1  }
0xb0: {  	v2 =	vadd.s32 $0xB00, v0;
	_ =	sdelay $0x3  }
0xb1: {  	[tilespmem:s13+$0x3480] =	vst v1  }
0xb2: {  	v1 =	vld.idx.msk [tilespmem:v2+s3+$0x0], $0xffff;
	_ =	sdelay $0x1  }
0xb3: {  	v2 =	vadd.s32 $0xB80, v0;
	_ =	sdelay $0x3  }
0xb4: {  	[tilespmem:s13+$0x3500] =	vst v1  }
0xb5: {  	v1 =	vld.idx.msk [tilespmem:v2+s3+$0x0], $0xffff;
	_ =	sdelay $0x1  }
0xb6: {  	v2 =	vadd.s32 $0xC00, v0;
	_ =	sdelay $0x3  }
0xb7: {  	[tilespmem:s13+$0x3580] =	vst v1  }
0xb8: {  	v1 =	vld.idx.msk [tilespmem:v2+s3+$0x0], $0xffff;
	_ =	sdelay $0x1  }
0xb9: {  	v2 =	vadd.s32 $0xC80, v0;
	_ =	sdelay $0x3  }
0xba: {  	[tilespmem:s13+$0x4200] =	vst v1  }
0xbb: {  	v1 =	vld.idx.msk [tilespmem:v2+s3+$0x0], $0xffff;
	_ =	sdelay $0x1  }
0xbc: {  	v0 =	vadd.s32 $0xD00, v0  }
.Ltmp0:
0xbd: {  	(pc) =	sbr.rel @p0 .LBB2_2-.Ltmp0, $3  }
0xbe: {  	_ =	sdelay $0x1  }
0xbf: {  	[tilespmem:s13+$0x4280] =	vst v1  }
0xc0: {  	v0 =	vld.idx.msk [tilespmem:v0+s3+$0x0], $0xffff  }
0xc1: {  	_ =	sdelay $0x1  }
0xc2: {  	s12 =	sadd.s32 $0x1, s12  }
0xc3: {  	p0 =	sne.s32 s12, s6  }
.Ltmp1:
0xc4: {  	[tilespmem:s13+$0x4300] =	vst v0;
	(pc) =	sbr.rel @p0 .LBB2_1-.Ltmp1, $4  }
0xc5: {  	[hbm4b:s5+s8] =	stream.strided.scatter [tilespmem:s10], [sflag:$0x2], $0x4000, s9, s8, $0x38;
	[tilespmem:$0x5200] =	vst v63  }
0xc6: {  	_ =	swait.ge [sflag:s11], $0x4000  }
0xc7: {  	[sflag:s11] =	ssyncset.done $0x0  }
0xc8: {  	[sflag:s11] =	ssyncadd.s32 $0xFFFFC000  }
0xc9: {  	_ =	sfence.sel $0x180000  }
0xca: {  	[bflag:$0x0] =	sbarrier.arrive $0xFFFF  }
0xcb: {  	p0 =	sne.s32 s2, $0x0;
	_ =	strace $0x90000047  }
0xcc: {  	s0 =	sadd.s32 @!p0 $0x100000, s0;
	[bflag:$0x2] =	sbarrier.arrive $0xFFFF  }
0xcd: {  	[sflag:s0] =	ssyncadd.tile.s32 @!p0 $0x1;
	_ =	shalt  }
.Lfunc_end2:
_tile_overlayer_lowered:
.L_overlay_start_2:
0xce: {  	(tag) =	ssettag $0x2  }
0xcf: {  	s0 =	rddreg [dreg:$0x0];
	s2 =	stileid.u32  }
0xd0: {  	s1 =	rddreg [dreg:$0x1];
	p0 =	sne.s32 s2, $0x0  }
0xd1: {  	s3 =	rddreg [dreg:$0x2];
	[bflag:$0x3] =	sbarrier.arrive $0xFFFF;
	s2 =	simm.s32 @!p0 $0x1C02  }
0xd2: {  	[timem:s3], [sflag:s2] =	dma.local @!p0 [hbm:s0], s1  }
0xd3: {  	s0 =	simm.s32 @!p0 $0x2  }
0xd4: {  	_ =	swait.ge @!p0 [sflag:s0], s1  }
0xd5: {  	s1 =	ssub.s32 @!p0 $0x0, s1;
	[sflag:s0] =	ssyncset.done @!p0 $0x0  }
0xd6: {  	[sflag:s0] =	ssyncadd.s32 @!p0 s1  }
0xd7: {  	[bflag:$0x3] =	sbarrier.arrive $0xFFFF  }
0xd8: {  	_ =	shalt  }

</sc_bundles>
